<compile_context>
chip_gen: v7x
topology: tpu7x:2x2x1
jax: 0.10.2.dev20260603
libtpu: 0.0.44.dev20260713+nightly
codegen_flags: <defaults>
</compile_context>

<pallas_src>
import functools

import jax
import jax.numpy as jnp
from jax import lax
from jax.experimental import pallas as pl
from jax.experimental.pallas import tpu as pltpu
from jax.experimental.pallas import tpu_sc as plsc

EMBED = 4096
SEQLEN = 8192
BATCH = 4

S_TC = 5120
S_SC = SEQLEN - S_TC

NC = 2
NS = 16
NW = NC * NS
LANES = 16
W_PER_B = NW // BATCH
ROWS_PER_W = S_SC // W_PER_B
TILE_R = 8
NTILES = ROWS_PER_W // TILE_R
KSTEPS = EMBED // LANES

BLOCK_S = 512
NBLOCKS_TC = S_TC // BLOCK_S




def _sc_compute_tile(buf, w_v, row0, bv, bi):
    accs = tuple(jnp.zeros((LANES,), jnp.float32) for _ in range(TILE_R))

    def kbody(k, accs):
        off = pl.multiple_of(k * LANES, LANES)
        wv = w_v[pl.ds(off, LANES)]
        return tuple(accs[r] + buf[r, pl.ds(off, LANES)] * wv
                     for r in range(TILE_R))

    accs = lax.fori_loop(0, KSTEPS, kbody, accs, unroll=2)
    for r in range(TILE_R):
        s = jnp.sum(accs[r])
        upd = s > bv
        bi = jnp.where(upd, row0 + r, bi)
        bv = jnp.where(upd, s, bv)
    return bv, bi


def _sc_score_body(x_hbm, w_hbm, out_val, out_idx,
                   w_v, buf0, buf1, vbuf, ibuf, sem0, sem1):
    wid = lax.axis_index("s") * NC + lax.axis_index("c")
    b = wid // W_PER_B
    j = wid % W_PER_B
    base = b * SEQLEN + S_TC + j * ROWS_PER_W

    pltpu.sync_copy(w_hbm.at[0], w_v)

    def issue(t, buf, sem):
        pltpu.async_copy(x_hbm.at[pl.ds(base + t * TILE_R, TILE_R), :], buf, sem)

    def wait(buf, sem):
        pltpu.make_async_copy(x_hbm.at[pl.ds(base, TILE_R), :], buf, sem).wait()

    issue(0, buf0, sem0)
    issue(1, buf1, sem1)

    def body2(t2, carry):
        bv, bi = carry
        t0 = t2 * 2
        wait(buf0, sem0)
        bv, bi = _sc_compute_tile(buf0, w_v, base + t0 * TILE_R, bv, bi)

        @pl.when(t0 + 2 < NTILES)
        def _():
            issue(t0 + 2, buf0, sem0)

        wait(buf1, sem1)
        bv, bi = _sc_compute_tile(buf1, w_v, base + (t0 + 1) * TILE_R, bv, bi)

        @pl.when(t0 + 3 < NTILES)
        def _():
            issue(t0 + 3, buf1, sem1)

        return bv, bi

    bv, bi = lax.fori_loop(0, NTILES // 2, body2,
                           (jnp.float32(-jnp.inf), jnp.int32(0)))

    vbuf[...] = jnp.broadcast_to(bv, (LANES,))
    ibuf[...] = jnp.broadcast_to(bi, (LANES,))
    pltpu.sync_copy(vbuf, out_val.at[wid])
    pltpu.sync_copy(ibuf, out_idx.at[wid])


def _sc_score(x_flat, W):
    mesh = plsc.VectorSubcoreMesh(core_axis_name="c", subcore_axis_name="s")
    return pl.kernel(
        _sc_score_body,
        out_type=(
            jax.ShapeDtypeStruct((NW, LANES), jnp.float32),
            jax.ShapeDtypeStruct((NW, LANES), jnp.int32),
        ),
        mesh=mesh,
        scratch_types=[
            pltpu.VMEM((EMBED,), jnp.float32),
            pltpu.VMEM((TILE_R, EMBED), jnp.float32),
            pltpu.VMEM((TILE_R, EMBED), jnp.float32),
            pltpu.VMEM((LANES,), jnp.float32),
            pltpu.VMEM((LANES,), jnp.int32),
            pltpu.SemaphoreType.DMA,
            pltpu.SemaphoreType.DMA,
        ],
        compiler_params=pltpu.CompilerParams(needs_layout_passes=False),
    )(x_flat, W)




def _tc_score_body(x_ref, w_ref, vals_ref, idx_ref, mval_ref):
    b = pl.program_id(0)
    s = pl.program_id(1)

    @pl.when(s == 0)
    def _init():
        mval_ref[0] = -jnp.inf

    x = x_ref[0]
    w = w_ref[...]
    logits = jnp.sum(x * w, axis=1, keepdims=True)

    m = jnp.max(logits)
    row_ids = jax.lax.broadcasted_iota(jnp.int32, logits.shape, 0)
    local_idx = jnp.min(jnp.where(logits == m, row_ids, BLOCK_S))

    @pl.when(m > mval_ref[0])
    def _update():
        mval_ref[0] = m
        vals_ref[b] = m
        idx_ref[b] = s * BLOCK_S + local_idx


def _tc_score(token_embeddings, W):
    return pl.pallas_call(
        _tc_score_body,
        grid=(BATCH, NBLOCKS_TC),
        in_specs=[
            pl.BlockSpec((1, BLOCK_S, EMBED), lambda b, s: (b, s, 0)),
            pl.BlockSpec((1, EMBED), lambda b, s: (0, 0)),
        ],
        out_specs=[
            pl.BlockSpec(memory_space=pltpu.SMEM),
            pl.BlockSpec(memory_space=pltpu.SMEM),
        ],
        out_shape=[
            jax.ShapeDtypeStruct((BATCH,), jnp.float32),
            jax.ShapeDtypeStruct((BATCH,), jnp.int32),
        ],
        scratch_shapes=[pltpu.SMEM((1,), jnp.float32)],
        compiler_params=pltpu.CompilerParams(
            dimension_semantics=("arbitrary", "arbitrary"),
        ),
    )(token_embeddings, W)




def _merge_body(svals_ref, sidx_ref, tvals_ref, tidx_ref, x_ref,
                emb_ref, oidx_ref, row_v, sem):
    b = pl.program_id(0)
    vblock = svals_ref[pl.ds(b * W_PER_B, W_PER_B), :]
    iblock = sidx_ref[pl.ds(b * W_PER_B, W_PER_B), :]
    sc_m = jnp.max(vblock)
    sc_i = jnp.min(jnp.where(vblock == sc_m, iblock, jnp.int32(2**30)))

    tc_v = tvals_ref[b]
    tc_i = b * SEQLEN + tidx_ref[b]

    use_tc = tc_v >= sc_m
    gi = jnp.where(use_tc, tc_i, sc_i)
    oidx_ref[b] = gi - b * SEQLEN

    cp = pltpu.make_async_copy(x_ref.at[pl.ds(gi, 1), :], row_v, sem)
    cp.start()
    cp.wait()
    emb_ref[0] = row_v[...]


def _merge_gather(x_flat, svals, sidx, tvals, tidx):
    emb, oidx = pl.pallas_call(
        _merge_body,
        grid=(BATCH,),
        in_specs=[
            pl.BlockSpec((NW, LANES), lambda b: (0, 0)),
            pl.BlockSpec((NW, LANES), lambda b: (0, 0)),
            pl.BlockSpec(memory_space=pltpu.SMEM),
            pl.BlockSpec(memory_space=pltpu.SMEM),
            pl.BlockSpec(memory_space=pltpu.HBM),
        ],
        out_specs=[
            pl.BlockSpec((1, 1, EMBED), lambda b: (b, 0, 0)),
            pl.BlockSpec(memory_space=pltpu.SMEM),
        ],
        out_shape=[
            jax.ShapeDtypeStruct((BATCH, 1, EMBED), jnp.float32),
            jax.ShapeDtypeStruct((BATCH,), jnp.int32),
        ],
        scratch_shapes=[
            pltpu.VMEM((1, EMBED), jnp.float32),
            pltpu.SemaphoreType.DMA,
        ],
    )(svals, sidx, tvals, tidx, x_flat)
    return emb.reshape(BATCH, EMBED), oidx


@jax.jit
def _run(token_embeddings, W):
    x_flat = token_embeddings.reshape(BATCH * SEQLEN, EMBED)
    svals, sidx = _sc_score(x_flat, W)
    tvals, tidx = _tc_score(token_embeddings, W)
    return _merge_gather(x_flat, svals, sidx, tvals, tidx)


def kernel(token_embeddings, W, b):
    emb, idx = _run(token_embeddings, W)
    return emb, idx

# --- scband reference (transcript-rebuilt; emitter-appended) ---
"""Pipeline reference for scband-relevant-token-selector-1872605741734 (READ-ONLY COPY).

The authoritative reference and input builder live on the scoring server;
editing this copy changes nothing except your own understanding.
"""

import jax, jax.numpy as jnp
import numpy as np

EMBED_DIM = 4096
BATCH = 4
SEQ = 8192


def setup_inputs(seed: int = 0) -> dict:
    key = jax.random.key(seed)
    k1, k2, k3 = jax.random.split(key, 3)
    token_embeddings = jax.random.normal(k1, (BATCH, SEQ, EMBED_DIM), dtype=jnp.float32)
    # nn.Linear(embedding_dim, 1): weight [1, D], bias [1]
    bound = 1.0 / np.sqrt(EMBED_DIM)
    W = jax.random.uniform(k2, (1, EMBED_DIM), minval=-bound, maxval=bound, dtype=jnp.float32)
    b = jax.random.uniform(k3, (1,), minval=-bound, maxval=bound, dtype=jnp.float32)
    return {"token_embeddings": token_embeddings, "W": W, "b": b}


def reference(token_embeddings, W, b):
    # relevance_logits = self.scorer(token_embeddings).squeeze(-1)
    relevance_logits = (jnp.einsum('bsd,od->bso', token_embeddings, W) + b).squeeze(-1)  # [B, S]
    # eval mode: argmax over tokens
    selected_token_indices = jnp.argmax(relevance_logits, axis=-1)  # [B]
    batch_arange = jnp.arange(token_embeddings.shape[0])
    selected_token_embeddings = token_embeddings[batch_arange, selected_token_indices]  # [B, D]
    return (selected_token_embeddings, selected_token_indices)

if __name__ == "__main__":
    import jax
    _d = setup_inputs()
    print(jax.jit(kernel)(*tuple(_d.values())))

</pallas_src>

<mosaic_0001>
#map = affine_map<(d0, d1) -> (0, 0)>
module attributes {stable_mosaic.version = 14 : i64} {
  func.func @_sc_score_body(%arg0: i32, %arg1: i32, %arg2: memref<32768x4096xf32, #tpu.memory_space<hbm>>, %arg3: memref<1x4096xf32, #tpu.memory_space<hbm>>, %arg4: memref<32x16xf32, #tpu.memory_space<hbm>>, %arg5: memref<32x16xi32, #tpu.memory_space<hbm>>, %arg6: memref<4096xf32, #tpu.memory_space<vmem>>, %arg7: memref<8x4096xf32, #tpu.memory_space<vmem>>, %arg8: memref<8x4096xf32, #tpu.memory_space<vmem>>, %arg9: memref<16xf32, #tpu.memory_space<vmem>>, %arg10: memref<16xi32, #tpu.memory_space<vmem>>, %arg11: memref<!tpu.dma_semaphore, #tpu.memory_space<semaphore_mem>>, %arg12: memref<!tpu.dma_semaphore, #tpu.memory_space<semaphore_mem>>) attributes {dimension_semantics = [#tpu.dimension_semantics<core_parallel>, #tpu.dimension_semantics<subcore_parallel>], iteration_bounds = array<i64: 2, 16>, scalar_prefetch = 0 : i64, scratch_operands = 7 : i64, tpu.core_type = #tpu.core_type<sc_vector_subcore>, window_params = [{transform_indices = #map}, {transform_indices = #map}, {transform_indices = #map}, {transform_indices = #map}]} {
    %mul3A = arith.constant 2 : i32
    %mul3A_0 = arith.muli %arg1, %mul3A : i32
    %add3A = arith.addi %mul3A_0, %arg0 : i32
    %jit3A = arith.constant 8 : i32
    %div3A = arith.divsi %add3A, %jit3A : i32
    %sign3A = arith.constant 0 : i32
    %sign3A_1 = arith.cmpi sgt, %add3A, %sign3A : i32
    %sign3A_2 = arith.extui %sign3A_1 : i1 to i32
    %sign3A_3 = arith.constant 0 : i32
    %sign3A_4 = arith.cmpi slt, %add3A, %sign3A_3 : i32
    %sign3A_5 = arith.extui %sign3A_4 : i1 to i32
    %sign3A_6 = arith.subi %sign3A_2, %sign3A_5 : i32
    %sign3A_7 = arith.constant 0 : i32
    %sign3A_8 = arith.cmpi sgt, %jit3A, %sign3A_7 : i32
    %sign3A_9 = arith.extui %sign3A_8 : i1 to i32
    %sign3A_10 = arith.constant 0 : i32
    %sign3A_11 = arith.cmpi slt, %jit3A, %sign3A_10 : i32
    %sign3A_12 = arith.extui %sign3A_11 : i1 to i32
    %sign3A_13 = arith.subi %sign3A_9, %sign3A_12 : i32
    %ne3A = arith.cmpi ne, %sign3A_6, %sign3A_13 : i32
    %rem3A = arith.remsi %add3A, %jit3A : i32
    %ne3A_14 = arith.constant 0 : i32
    %ne3A_15 = arith.cmpi ne, %rem3A, %ne3A_14 : i32
    %and3A = arith.andi %ne3A, %ne3A_15 : i1
    %sub3A = arith.constant 1 : i32
    %sub3A_16 = arith.subi %div3A, %sub3A : i32
    %select_n3A = arith.select %and3A, %sub3A_16, %div3A : i32
    %jit3A_17 = arith.constant 8 : i32
    %eq3A = arith.constant 0 : i32
    %eq3A_18 = arith.cmpi eq, %jit3A_17, %eq3A : i32
    %jit3A_19 = arith.constant 1 : i32
    %select_n3A_20 = arith.select %eq3A_18, %jit3A_19, %jit3A_17 : i32
    %rem3A_21 = arith.remsi %add3A, %select_n3A_20 : i32
    %ne3A_22 = arith.constant 0 : i32
    %ne3A_23 = arith.cmpi ne, %rem3A_21, %ne3A_22 : i32
    %lt3A = arith.constant 0 : i32
    %lt3A_24 = arith.cmpi slt, %rem3A_21, %lt3A : i32
    %lt3A_25 = arith.constant 0 : i32
    %lt3A_26 = arith.cmpi slt, %select_n3A_20, %lt3A_25 : i32
    %ne3A_27 = arith.xori %lt3A_24, %lt3A_26 : i1
    %and3A_28 = arith.andi %ne3A_27, %ne3A_23 : i1
    %add3A_29 = arith.addi %rem3A_21, %select_n3A_20 : i32
    %select_n3A_30 = arith.select %and3A_28, %add3A_29, %rem3A_21 : i32
    %mul3A_31 = arith.constant 8192 : i32
    %mul3A_32 = arith.muli %select_n3A, %mul3A_31 : i32
    %add3A_33 = arith.constant 5120 : i32
    %add3A_34 = arith.addi %mul3A_32, %add3A_33 : i32
    %mul3A_35 = arith.constant 384 : i32
    %mul3A_36 = arith.muli %select_n3A_30, %mul3A_35 : i32
    %add3A_37 = arith.addi %add3A_34, %mul3A_36 : i32
    %run_scoped3A = arith.constant 0 : i32
    "tpu.region"() ({
      %run_scoped3A_60 = tpu.sem_alloc : memref<!tpu.dma_semaphore, #tpu.memory_space<semaphore_mem>>
      %dma_start3A_61 = arith.constant 0 : i32
      %dma_start3A_62 = tpu.memref_slice %arg3[%run_scoped3A, %dma_start3A_61] : memref<1x4096xf32, #tpu.memory_space<hbm>> -> memref<1x4096xf32, #tpu.memory_space<hbm>>
      %dma_start3A_63 = tpu.memref_squeeze %dma_start3A_62 : memref<1x4096xf32, #tpu.memory_space<hbm>> -> memref<4096xf32, #tpu.memory_space<hbm>>
      %dma_start3A_64 = arith.constant 0 : i32
      %dma_start3A_65 = tpu.memref_slice %arg3[%run_scoped3A, %dma_start3A_64] : memref<1x4096xf32, #tpu.memory_space<hbm>> -> memref<1x4096xf32, #tpu.memory_space<hbm>>
      %dma_start3A_66 = tpu.memref_squeeze %dma_start3A_65 : memref<1x4096xf32, #tpu.memory_space<hbm>> -> memref<4096xf32, #tpu.memory_space<hbm>>
      tpu.enqueue_dma source(%dma_start3A_66 : memref<4096xf32, #tpu.memory_space<hbm>>) target(%arg6 : memref<4096xf32, #tpu.memory_space<vmem>>) target_semaphore(%run_scoped3A_60 : memref<!tpu.dma_semaphore, #tpu.memory_space<semaphore_mem>>)
      %dma_wait3A = arith.constant 0 : i32
      %dma_wait3A_67 = tpu.memref_slice %arg3[%run_scoped3A, %dma_wait3A] : memref<1x4096xf32, #tpu.memory_space<hbm>> -> memref<1x4096xf32, #tpu.memory_space<hbm>>
      %dma_wait3A_68 = tpu.memref_squeeze %dma_wait3A_67 : memref<1x4096xf32, #tpu.memory_space<hbm>> -> memref<4096xf32, #tpu.memory_space<hbm>>
      %dma_wait3A_69 = arith.constant 0 : i32
      %dma_wait3A_70 = tpu.memref_slice %arg3[%run_scoped3A, %dma_wait3A_69] : memref<1x4096xf32, #tpu.memory_space<hbm>> -> memref<1x4096xf32, #tpu.memory_space<hbm>>
      %dma_wait3A_71 = tpu.memref_squeeze %dma_wait3A_70 : memref<1x4096xf32, #tpu.memory_space<hbm>> -> memref<4096xf32, #tpu.memory_space<hbm>>
      tpu.wait_dma2 semaphore(%run_scoped3A_60 : memref<!tpu.dma_semaphore, #tpu.memory_space<semaphore_mem>>) src(%dma_wait3A_71 : memref<4096xf32, #tpu.memory_space<hbm>>) dst(%arg6 : memref<4096xf32, #tpu.memory_space<vmem>>)
      tpu.yield
    }) : () -> ()
    %add3A_38 = arith.constant 0 : i32
    %add3A_39 = arith.addi %add3A_37, %add3A_38 : i32
    %dma_start3A = arith.constant 0 : i32
    %dma_start3A_40 = tpu.memref_slice %arg2[%add3A_39, %dma_start3A] : memref<32768x4096xf32, #tpu.memory_space<hbm>> -> memref<8x4096xf32, #tpu.memory_space<hbm>>
    %dma_start3A_41 = arith.constant 0 : i32
    %dma_start3A_42 = tpu.memref_slice %arg2[%add3A_39, %dma_start3A_41] : memref<32768x4096xf32, #tpu.memory_space<hbm>> -> memref<8x4096xf32, #tpu.memory_space<hbm>>
    tpu.enqueue_dma source(%dma_start3A_42 : memref<8x4096xf32, #tpu.memory_space<hbm>>) target(%arg7 : memref<8x4096xf32, #tpu.memory_space<vmem>>) target_semaphore(%arg11 : memref<!tpu.dma_semaphore, #tpu.memory_space<semaphore_mem>>)
    %add3A_43 = arith.constant 8 : i32
    %add3A_44 = arith.addi %add3A_37, %add3A_43 : i32
    %dma_start3A_45 = arith.constant 0 : i32
    %dma_start3A_46 = tpu.memref_slice %arg2[%add3A_44, %dma_start3A_45] : memref<32768x4096xf32, #tpu.memory_space<hbm>> -> memref<8x4096xf32, #tpu.memory_space<hbm>>
    %dma_start3A_47 = arith.constant 0 : i32
    %dma_start3A_48 = tpu.memref_slice %arg2[%add3A_44, %dma_start3A_47] : memref<32768x4096xf32, #tpu.memory_space<hbm>> -> memref<8x4096xf32, #tpu.memory_space<hbm>>
    tpu.enqueue_dma source(%dma_start3A_48 : memref<8x4096xf32, #tpu.memory_space<hbm>>) target(%arg8 : memref<8x4096xf32, #tpu.memory_space<vmem>>) target_semaphore(%arg12 : memref<!tpu.dma_semaphore, #tpu.memory_space<semaphore_mem>>)
    %scan3A = arith.constant 0xFF800000 : f32
    %scan3A_49 = arith.constant 0 : i32
    %scan3A_50 = arith.constant 0 : i32
    %scan3A_51 = arith.constant 24 : i32
    %scan3A_52 = arith.addi %scan3A_50, %scan3A_51 : i32
    %scan3A_53 = arith.constant 1 : i32
    %scan3A_54:2 = scf.for %scan3A_60 = %scan3A_50 to %scan3A_52 step %scan3A_53 iter_args(%scan3A_61 = %scan3A, %scan3A_62 = %scan3A_49) -> (f32, i32)  : i32 {
      %mul3A_63 = arith.constant 2 : i32
      %mul3A_64 = arith.muli %scan3A_60, %mul3A_63 : i32
      %dma_wait3A = arith.constant 0 : i32
      %dma_wait3A_65 = tpu.memref_slice %arg2[%add3A_37, %dma_wait3A] : memref<32768x4096xf32, #tpu.memory_space<hbm>> -> memref<8x4096xf32, #tpu.memory_space<hbm>>
      %dma_wait3A_66 = arith.constant 0 : i32
      %dma_wait3A_67 = tpu.memref_slice %arg2[%add3A_37, %dma_wait3A_66] : memref<32768x4096xf32, #tpu.memory_space<hbm>> -> memref<8x4096xf32, #tpu.memory_space<hbm>>
      tpu.wait_dma2 semaphore(%arg11 : memref<!tpu.dma_semaphore, #tpu.memory_space<semaphore_mem>>) src(%dma_wait3A_67 : memref<8x4096xf32, #tpu.memory_space<hbm>>) dst(%arg7 : memref<8x4096xf32, #tpu.memory_space<vmem>>)
      %mul3A_68 = arith.constant 8 : i32
      %mul3A_69 = arith.muli %mul3A_64, %mul3A_68 : i32
      %add3A_70 = arith.addi %add3A_37, %mul3A_69 : i32
      %broadcast_in_dim3A_71 = arith.constant 0.000000e+00 : f32
      %broadcast_in_dim3A_72 = vector.broadcast %broadcast_in_dim3A_71 : f32 to vector<16xf32>
      %broadcast_in_dim3A_73 = arith.constant 0.000000e+00 : f32
      %broadcast_in_dim3A_74 = vector.broadcast %broadcast_in_dim3A_73 : f32 to vector<16xf32>
      %broadcast_in_dim3A_75 = arith.constant 0.000000e+00 : f32
      %broadcast_in_dim3A_76 = vector.broadcast %broadcast_in_dim3A_75 : f32 to vector<16xf32>
      %broadcast_in_dim3A_77 = arith.constant 0.000000e+00 : f32
      %broadcast_in_dim3A_78 = vector.broadcast %broadcast_in_dim3A_77 : f32 to vector<16xf32>
      %broadcast_in_dim3A_79 = arith.constant 0.000000e+00 : f32
      %broadcast_in_dim3A_80 = vector.broadcast %broadcast_in_dim3A_79 : f32 to vector<16xf32>
      %broadcast_in_dim3A_81 = arith.constant 0.000000e+00 : f32
      %broadcast_in_dim3A_82 = vector.broadcast %broadcast_in_dim3A_81 : f32 to vector<16xf32>
      %broadcast_in_dim3A_83 = arith.constant 0.000000e+00 : f32
      %broadcast_in_dim3A_84 = vector.broadcast %broadcast_in_dim3A_83 : f32 to vector<16xf32>
      %broadcast_in_dim3A_85 = arith.constant 0.000000e+00 : f32
      %broadcast_in_dim3A_86 = vector.broadcast %broadcast_in_dim3A_85 : f32 to vector<16xf32>
      %scan3A_87 = arith.constant 0 : i32
      %scan3A_88 = arith.constant 256 : i32
      %scan3A_89 = arith.addi %scan3A_87, %scan3A_88 : i32
      %scan3A_90 = arith.constant 2 : i32
      %scan3A_91:8 = scf.for %scan3A_278 = %scan3A_87 to %scan3A_89 step %scan3A_90 iter_args(%scan3A_279 = %broadcast_in_dim3A_72, %scan3A_280 = %broadcast_in_dim3A_74, %scan3A_281 = %broadcast_in_dim3A_76, %scan3A_282 = %broadcast_in_dim3A_78, %scan3A_283 = %broadcast_in_dim3A_80, %scan3A_284 = %broadcast_in_dim3A_82, %scan3A_285 = %broadcast_in_dim3A_84, %scan3A_286 = %broadcast_in_dim3A_86) -> (vector<16xf32>, vector<16xf32>, vector<16xf32>, vector<16xf32>, vector<16xf32>, vector<16xf32>, vector<16xf32>, vector<16xf32>)  : i32 {
        %mul3A_287 = arith.constant 16 : i32
        %mul3A_288 = arith.muli %scan3A_278, %mul3A_287 : i32
        %multiple_of3A = tpu.assume_multiple %mul3A_288, 16 : i32
        %get3A = arith.index_cast %multiple_of3A : i32 to index
        %get3A_289 = tpu.vector_load %arg6[%get3A] {strides = array<i32>} : memref<4096xf32, #tpu.memory_space<vmem>>, vector<16xf32>,
        %get3A_290 = arith.constant 0 : i32
        %get3A_291 = arith.index_cast %get3A_290 : i32 to index
        %get3A_292 = arith.index_cast %multiple_of3A : i32 to index
        %get3A_293 = tpu.vector_load %arg7[%get3A_291, %get3A_292] {strides = array<i32>} : memref<8x4096xf32, #tpu.memory_space<vmem>>, vector<16xf32>,
        %mul3A_294 = arith.mulf %get3A_293, %get3A_289 : vector<16xf32>
        %add3A_295 = arith.addf %scan3A_279, %mul3A_294 : vector<16xf32>
        %get3A_296 = arith.constant 1 : i32
        %get3A_297 = arith.index_cast %get3A_296 : i32 to index
        %get3A_298 = arith.index_cast %multiple_of3A : i32 to index
        %get3A_299 = tpu.vector_load %arg7[%get3A_297, %get3A_298] {strides = array<i32>} : memref<8x4096xf32, #tpu.memory_space<vmem>>, vector<16xf32>,
        %mul3A_300 = arith.mulf %get3A_299, %get3A_289 : vector<16xf32>
        %add3A_301 = arith.addf %scan3A_280, %mul3A_300 : vector<16xf32>
        %get3A_302 = arith.constant 2 : i32
        %get3A_303 = arith.index_cast %get3A_302 : i32 to index
        %get3A_304 = arith.index_cast %multiple_of3A : i32 to index
        %get3A_305 = tpu.vector_load %arg7[%get3A_303, %get3A_304] {strides = array<i32>} : memref<8x4096xf32, #tpu.memory_space<vmem>>, vector<16xf32>,
        %mul3A_306 = arith.mulf %get3A_305, %get3A_289 : vector<16xf32>
        %add3A_307 = arith.addf %scan3A_281, %mul3A_306 : vector<16xf32>
        %get3A_308 = arith.constant 3 : i32
        %get3A_309 = arith.index_cast %get3A_308 : i32 to index
        %get3A_310 = arith.index_cast %multiple_of3A : i32 to index
        %get3A_311 = tpu.vector_load %arg7[%get3A_309, %get3A_310] {strides = array<i32>} : memref<8x4096xf32, #tpu.memory_space<vmem>>, vector<16xf32>,
        %mul3A_312 = arith.mulf %get3A_311, %get3A_289 : vector<16xf32>
        %add3A_313 = arith.addf %scan3A_282, %mul3A_312 : vector<16xf32>
        %get3A_314 = arith.constant 4 : i32
        %get3A_315 = arith.index_cast %get3A_314 : i32 to index
        %get3A_316 = arith.index_cast %multiple_of3A : i32 to index
        %get3A_317 = tpu.vector_load %arg7[%get3A_315, %get3A_316] {strides = array<i32>} : memref<8x4096xf32, #tpu.memory_space<vmem>>, vector<16xf32>,
        %mul3A_318 = arith.mulf %get3A_317, %get3A_289 : vector<16xf32>
        %add3A_319 = arith.addf %scan3A_283, %mul3A_318 : vector<16xf32>
        %get3A_320 = arith.constant 5 : i32
        %get3A_321 = arith.index_cast %get3A_320 : i32 to index
        %get3A_322 = arith.index_cast %multiple_of3A : i32 to index
        %get3A_323 = tpu.vector_load %arg7[%get3A_321, %get3A_322] {strides = array<i32>} : memref<8x4096xf32, #tpu.memory_space<vmem>>, vector<16xf32>,
        %mul3A_324 = arith.mulf %get3A_323, %get3A_289 : vector<16xf32>
        %add3A_325 = arith.addf %scan3A_284, %mul3A_324 : vector<16xf32>
        %get3A_326 = arith.constant 6 : i32
        %get3A_327 = arith.index_cast %get3A_326 : i32 to index
        %get3A_328 = arith.index_cast %multiple_of3A : i32 to index
        %get3A_329 = tpu.vector_load %arg7[%get3A_327, %get3A_328] {strides = array<i32>} : memref<8x4096xf32, #tpu.memory_space<vmem>>, vector<16xf32>,
        %mul3A_330 = arith.mulf %get3A_329, %get3A_289 : vector<16xf32>
        %add3A_331 = arith.addf %scan3A_285, %mul3A_330 : vector<16xf32>
        %get3A_332 = arith.constant 7 : i32
        %get3A_333 = arith.index_cast %get3A_332 : i32 to index
        %get3A_334 = arith.index_cast %multiple_of3A : i32 to index
        %get3A_335 = tpu.vector_load %arg7[%get3A_333, %get3A_334] {strides = array<i32>} : memref<8x4096xf32, #tpu.memory_space<vmem>>, vector<16xf32>,
        %mul3A_336 = arith.mulf %get3A_335, %get3A_289 : vector<16xf32>
        %add3A_337 = arith.addf %scan3A_286, %mul3A_336 : vector<16xf32>
        %scan3A_338 = arith.constant 1 : i32
        %scan3A_339 = arith.addi %scan3A_278, %scan3A_338 : i32
        %mul3A_340 = arith.constant 16 : i32
        %mul3A_341 = arith.muli %scan3A_339, %mul3A_340 : i32
        %multiple_of3A_342 = tpu.assume_multiple %mul3A_341, 16 : i32
        %get3A_343 = arith.index_cast %multiple_of3A_342 : i32 to index
        %get3A_344 = tpu.vector_load %arg6[%get3A_343] {strides = array<i32>} : memref<4096xf32, #tpu.memory_space<vmem>>, vector<16xf32>,
        %get3A_345 = arith.constant 0 : i32
        %get3A_346 = arith.index_cast %get3A_345 : i32 to index
        %get3A_347 = arith.index_cast %multiple_of3A_342 : i32 to index
        %get3A_348 = tpu.vector_load %arg7[%get3A_346, %get3A_347] {strides = array<i32>} : memref<8x4096xf32, #tpu.memory_space<vmem>>, vector<16xf32>,
        %mul3A_349 = arith.mulf %get3A_348, %get3A_344 : vector<16xf32>
        %add3A_350 = arith.addf %add3A_295, %mul3A_349 : vector<16xf32>
        %get3A_351 = arith.constant 1 : i32
        %get3A_352 = arith.index_cast %get3A_351 : i32 to index
        %get3A_353 = arith.index_cast %multiple_of3A_342 : i32 to index
        %get3A_354 = tpu.vector_load %arg7[%get3A_352, %get3A_353] {strides = array<i32>} : memref<8x4096xf32, #tpu.memory_space<vmem>>, vector<16xf32>,
        %mul3A_355 = arith.mulf %get3A_354, %get3A_344 : vector<16xf32>
        %add3A_356 = arith.addf %add3A_301, %mul3A_355 : vector<16xf32>
        %get3A_357 = arith.constant 2 : i32
        %get3A_358 = arith.index_cast %get3A_357 : i32 to index
        %get3A_359 = arith.index_cast %multiple_of3A_342 : i32 to index
        %get3A_360 = tpu.vector_load %arg7[%get3A_358, %get3A_359] {strides = array<i32>} : memref<8x4096xf32, #tpu.memory_space<vmem>>, vector<16xf32>,
        %mul3A_361 = arith.mulf %get3A_360, %get3A_344 : vector<16xf32>
        %add3A_362 = arith.addf %add3A_307, %mul3A_361 : vector<16xf32>
        %get3A_363 = arith.constant 3 : i32
        %get3A_364 = arith.index_cast %get3A_363 : i32 to index
        %get3A_365 = arith.index_cast %multiple_of3A_342 : i32 to index
        %get3A_366 = tpu.vector_load %arg7[%get3A_364, %get3A_365] {strides = array<i32>} : memref<8x4096xf32, #tpu.memory_space<vmem>>, vector<16xf32>,
        %mul3A_367 = arith.mulf %get3A_366, %get3A_344 : vector<16xf32>
        %add3A_368 = arith.addf %add3A_313, %mul3A_367 : vector<16xf32>
        %get3A_369 = arith.constant 4 : i32
        %get3A_370 = arith.index_cast %get3A_369 : i32 to index
        %get3A_371 = arith.index_cast %multiple_of3A_342 : i32 to index
        %get3A_372 = tpu.vector_load %arg7[%get3A_370, %get3A_371] {strides = array<i32>} : memref<8x4096xf32, #tpu.memory_space<vmem>>, vector<16xf32>,
        %mul3A_373 = arith.mulf %get3A_372, %get3A_344 : vector<16xf32>
        %add3A_374 = arith.addf %add3A_319, %mul3A_373 : vector<16xf32>
        %get3A_375 = arith.constant 5 : i32
        %get3A_376 = arith.index_cast %get3A_375 : i32 to index
        %get3A_377 = arith.index_cast %multiple_of3A_342 : i32 to index
        %get3A_378 = tpu.vector_load %arg7[%get3A_376, %get3A_377] {strides = array<i32>} : memref<8x4096xf32, #tpu.memory_space<vmem>>, vector<16xf32>,
        %mul3A_379 = arith.mulf %get3A_378, %get3A_344 : vector<16xf32>
        %add3A_380 = arith.addf %add3A_325, %mul3A_379 : vector<16xf32>
        %get3A_381 = arith.constant 6 : i32
        %get3A_382 = arith.index_cast %get3A_381 : i32 to index
        %get3A_383 = arith.index_cast %multiple_of3A_342 : i32 to index
        %get3A_384 = tpu.vector_load %arg7[%get3A_382, %get3A_383] {strides = array<i32>} : memref<8x4096xf32, #tpu.memory_space<vmem>>, vector<16xf32>,
        %mul3A_385 = arith.mulf %get3A_384, %get3A_344 : vector<16xf32>
        %add3A_386 = arith.addf %add3A_331, %mul3A_385 : vector<16xf32>
        %get3A_387 = arith.constant 7 : i32
        %get3A_388 = arith.index_cast %get3A_387 : i32 to index
        %get3A_389 = arith.index_cast %multiple_of3A_342 : i32 to index
        %get3A_390 = tpu.vector_load %arg7[%get3A_388, %get3A_389] {strides = array<i32>} : memref<8x4096xf32, #tpu.memory_space<vmem>>, vector<16xf32>,
        %mul3A_391 = arith.mulf %get3A_390, %get3A_344 : vector<16xf32>
        %add3A_392 = arith.addf %add3A_337, %mul3A_391 : vector<16xf32>
        scf.yield %add3A_350, %add3A_356, %add3A_362, %add3A_368, %add3A_374, %add3A_380, %add3A_386, %add3A_392 : vector<16xf32>, vector<16xf32>, vector<16xf32>, vector<16xf32>, vector<16xf32>, vector<16xf32>, vector<16xf32>, vector<16xf32>
      }
      %scan3A_92 = arith.constant 256 : i32
      %reduce_sum3A = arith.constant true
      %reduce_sum3A_93 = vector.broadcast %reduce_sum3A : i1 to vector<16xi1>
      %reduce_sum3A_94 = tpu.scan <sum>, %scan3A_91#0 masked %reduce_sum3A_93 : vector<16xf32>, vector<16xi1> -> vector<16xf32>
      %reduce_sum3A_95 = vector.extract %reduce_sum3A_94[15] : f32 from vector<16xf32>
      %gt3A = arith.cmpf ogt, %reduce_sum3A_95, %scan3A_61 : f32
      %add3A_96 = arith.constant 0 : i32
      %add3A_97 = arith.addi %add3A_70, %add3A_96 : i32
      %select_n3A_98 = arith.select %gt3A, %add3A_97, %scan3A_62 : i32
      %select_n3A_99 = arith.select %gt3A, %reduce_sum3A_95, %scan3A_61 : f32
      %reduce_sum3A_100 = arith.constant true
      %reduce_sum3A_101 = vector.broadcast %reduce_sum3A_100 : i1 to vector<16xi1>
      %reduce_sum3A_102 = tpu.scan <sum>, %scan3A_91#1 masked %reduce_sum3A_101 : vector<16xf32>, vector<16xi1> -> vector<16xf32>
      %reduce_sum3A_103 = vector.extract %reduce_sum3A_102[15] : f32 from vector<16xf32>
      %gt3A_104 = arith.cmpf ogt, %reduce_sum3A_103, %select_n3A_99 : f32
      %add3A_105 = arith.constant 1 : i32
      %add3A_106 = arith.addi %add3A_70, %add3A_105 : i32
      %select_n3A_107 = arith.select %gt3A_104, %add3A_106, %select_n3A_98 : i32
      %select_n3A_108 = arith.select %gt3A_104, %reduce_sum3A_103, %select_n3A_99 : f32
      %reduce_sum3A_109 = arith.constant true
      %reduce_sum3A_110 = vector.broadcast %reduce_sum3A_109 : i1 to vector<16xi1>
      %reduce_sum3A_111 = tpu.scan <sum>, %scan3A_91#2 masked %reduce_sum3A_110 : vector<16xf32>, vector<16xi1> -> vector<16xf32>
      %reduce_sum3A_112 = vector.extract %reduce_sum3A_111[15] : f32 from vector<16xf32>
      %gt3A_113 = arith.cmpf ogt, %reduce_sum3A_112, %select_n3A_108 : f32
      %add3A_114 = arith.constant 2 : i32
      %add3A_115 = arith.addi %add3A_70, %add3A_114 : i32
      %select_n3A_116 = arith.select %gt3A_113, %add3A_115, %select_n3A_107 : i32
      %select_n3A_117 = arith.select %gt3A_113, %reduce_sum3A_112, %select_n3A_108 : f32
      %reduce_sum3A_118 = arith.constant true
      %reduce_sum3A_119 = vector.broadcast %reduce_sum3A_118 : i1 to vector<16xi1>
      %reduce_sum3A_120 = tpu.scan <sum>, %scan3A_91#3 masked %reduce_sum3A_119 : vector<16xf32>, vector<16xi1> -> vector<16xf32>
      %reduce_sum3A_121 = vector.extract %reduce_sum3A_120[15] : f32 from vector<16xf32>
      %gt3A_122 = arith.cmpf ogt, %reduce_sum3A_121, %select_n3A_117 : f32
      %add3A_123 = arith.constant 3 : i32
      %add3A_124 = arith.addi %add3A_70, %add3A_123 : i32
      %select_n3A_125 = arith.select %gt3A_122, %add3A_124, %select_n3A_116 : i32
      %select_n3A_126 = arith.select %gt3A_122, %reduce_sum3A_121, %select_n3A_117 : f32
      %reduce_sum3A_127 = arith.constant true
      %reduce_sum3A_128 = vector.broadcast %reduce_sum3A_127 : i1 to vector<16xi1>
      %reduce_sum3A_129 = tpu.scan <sum>, %scan3A_91#4 masked %reduce_sum3A_128 : vector<16xf32>, vector<16xi1> -> vector<16xf32>
      %reduce_sum3A_130 = vector.extract %reduce_sum3A_129[15] : f32 from vector<16xf32>
      %gt3A_131 = arith.cmpf ogt, %reduce_sum3A_130, %select_n3A_126 : f32
      %add3A_132 = arith.constant 4 : i32
      %add3A_133 = arith.addi %add3A_70, %add3A_132 : i32
      %select_n3A_134 = arith.select %gt3A_131, %add3A_133, %select_n3A_125 : i32
      %select_n3A_135 = arith.select %gt3A_131, %reduce_sum3A_130, %select_n3A_126 : f32
      %reduce_sum3A_136 = arith.constant true
      %reduce_sum3A_137 = vector.broadcast %reduce_sum3A_136 : i1 to vector<16xi1>
      %reduce_sum3A_138 = tpu.scan <sum>, %scan3A_91#5 masked %reduce_sum3A_137 : vector<16xf32>, vector<16xi1> -> vector<16xf32>
      %reduce_sum3A_139 = vector.extract %reduce_sum3A_138[15] : f32 from vector<16xf32>
      %gt3A_140 = arith.cmpf ogt, %reduce_sum3A_139, %select_n3A_135 : f32
      %add3A_141 = arith.constant 5 : i32
      %add3A_142 = arith.addi %add3A_70, %add3A_141 : i32
      %select_n3A_143 = arith.select %gt3A_140, %add3A_142, %select_n3A_134 : i32
      %select_n3A_144 = arith.select %gt3A_140, %reduce_sum3A_139, %select_n3A_135 : f32
      %reduce_sum3A_145 = arith.constant true
      %reduce_sum3A_146 = vector.broadcast %reduce_sum3A_145 : i1 to vector<16xi1>
      %reduce_sum3A_147 = tpu.scan <sum>, %scan3A_91#6 masked %reduce_sum3A_146 : vector<16xf32>, vector<16xi1> -> vector<16xf32>
      %reduce_sum3A_148 = vector.extract %reduce_sum3A_147[15] : f32 from vector<16xf32>
      %gt3A_149 = arith.cmpf ogt, %reduce_sum3A_148, %select_n3A_144 : f32
      %add3A_150 = arith.constant 6 : i32
      %add3A_151 = arith.addi %add3A_70, %add3A_150 : i32
      %select_n3A_152 = arith.select %gt3A_149, %add3A_151, %select_n3A_143 : i32
      %select_n3A_153 = arith.select %gt3A_149, %reduce_sum3A_148, %select_n3A_144 : f32
      %reduce_sum3A_154 = arith.constant true
      %reduce_sum3A_155 = vector.broadcast %reduce_sum3A_154 : i1 to vector<16xi1>
      %reduce_sum3A_156 = tpu.scan <sum>, %scan3A_91#7 masked %reduce_sum3A_155 : vector<16xf32>, vector<16xi1> -> vector<16xf32>
      %reduce_sum3A_157 = vector.extract %reduce_sum3A_156[15] : f32 from vector<16xf32>
      %gt3A_158 = arith.cmpf ogt, %reduce_sum3A_157, %select_n3A_153 : f32
      %add3A_159 = arith.constant 7 : i32
      %add3A_160 = arith.addi %add3A_70, %add3A_159 : i32
      %select_n3A_161 = arith.select %gt3A_158, %add3A_160, %select_n3A_152 : i32
      %select_n3A_162 = arith.select %gt3A_158, %reduce_sum3A_157, %select_n3A_153 : f32
      %add3A_163 = arith.constant 2 : i32
      %add3A_164 = arith.addi %mul3A_64, %add3A_163 : i32
      %lt3A_165 = arith.constant 48 : i32
      %lt3A_166 = arith.cmpi slt, %add3A_164, %lt3A_165 : i32
      %convert_element_type3A = arith.extui %lt3A_166 : i1 to i32
      %cond3A = arith.constant 0 : i32
      %cond3A_167 = arith.cmpi ne, %convert_element_type3A, %cond3A : i32
      scf.if %cond3A_167 {
        %add3A_278 = arith.constant 2 : i32
        %add3A_279 = arith.addi %mul3A_64, %add3A_278 : i32
        %mul3A_280 = arith.constant 8 : i32
        %mul3A_281 = arith.muli %add3A_279, %mul3A_280 : i32
        %add3A_282 = arith.addi %add3A_37, %mul3A_281 : i32
        %dma_start3A_283 = arith.constant 0 : i32
        %dma_start3A_284 = tpu.memref_slice %arg2[%add3A_282, %dma_start3A_283] : memref<32768x4096xf32, #tpu.memory_space<hbm>> -> memref<8x4096xf32, #tpu.memory_space<hbm>>
        %dma_start3A_285 = arith.constant 0 : i32
        %dma_start3A_286 = tpu.memref_slice %arg2[%add3A_282, %dma_start3A_285] : memref<32768x4096xf32, #tpu.memory_space<hbm>> -> memref<8x4096xf32, #tpu.memory_space<hbm>>
        tpu.enqueue_dma source(%dma_start3A_286 : memref<8x4096xf32, #tpu.memory_space<hbm>>) target(%arg7 : memref<8x4096xf32, #tpu.memory_space<vmem>>) target_semaphore(%arg11 : memref<!tpu.dma_semaphore, #tpu.memory_space<semaphore_mem>>)
      } else {
      }
      %dma_wait3A_168 = arith.constant 0 : i32
      %dma_wait3A_169 = tpu.memref_slice %arg2[%add3A_37, %dma_wait3A_168] : memref<32768x4096xf32, #tpu.memory_space<hbm>> -> memref<8x4096xf32, #tpu.memory_space<hbm>>
      %dma_wait3A_170 = arith.constant 0 : i32
      %dma_wait3A_171 = tpu.memref_slice %arg2[%add3A_37, %dma_wait3A_170] : memref<32768x4096xf32, #tpu.memory_space<hbm>> -> memref<8x4096xf32, #tpu.memory_space<hbm>>
      tpu.wait_dma2 semaphore(%arg12 : memref<!tpu.dma_semaphore, #tpu.memory_space<semaphore_mem>>) src(%dma_wait3A_171 : memref<8x4096xf32, #tpu.memory_space<hbm>>) dst(%arg8 : memref<8x4096xf32, #tpu.memory_space<vmem>>)
      %add3A_172 = arith.constant 1 : i32
      %add3A_173 = arith.addi %mul3A_64, %add3A_172 : i32
      %mul3A_174 = arith.constant 8 : i32
      %mul3A_175 = arith.muli %add3A_173, %mul3A_174 : i32
      %add3A_176 = arith.addi %add3A_37, %mul3A_175 : i32
      %broadcast_in_dim3A_177 = arith.constant 0.000000e+00 : f32
      %broadcast_in_dim3A_178 = vector.broadcast %broadcast_in_dim3A_177 : f32 to vector<16xf32>
      %broadcast_in_dim3A_179 = arith.constant 0.000000e+00 : f32
      %broadcast_in_dim3A_180 = vector.broadcast %broadcast_in_dim3A_179 : f32 to vector<16xf32>
      %broadcast_in_dim3A_181 = arith.constant 0.000000e+00 : f32
      %broadcast_in_dim3A_182 = vector.broadcast %broadcast_in_dim3A_181 : f32 to vector<16xf32>
      %broadcast_in_dim3A_183 = arith.constant 0.000000e+00 : f32
      %broadcast_in_dim3A_184 = vector.broadcast %broadcast_in_dim3A_183 : f32 to vector<16xf32>
      %broadcast_in_dim3A_185 = arith.constant 0.000000e+00 : f32
      %broadcast_in_dim3A_186 = vector.broadcast %broadcast_in_dim3A_185 : f32 to vector<16xf32>
      %broadcast_in_dim3A_187 = arith.constant 0.000000e+00 : f32
      %broadcast_in_dim3A_188 = vector.broadcast %broadcast_in_dim3A_187 : f32 to vector<16xf32>
      %broadcast_in_dim3A_189 = arith.constant 0.000000e+00 : f32
      %broadcast_in_dim3A_190 = vector.broadcast %broadcast_in_dim3A_189 : f32 to vector<16xf32>
      %broadcast_in_dim3A_191 = arith.constant 0.000000e+00 : f32
      %broadcast_in_dim3A_192 = vector.broadcast %broadcast_in_dim3A_191 : f32 to vector<16xf32>
      %scan3A_193 = arith.constant 0 : i32
      %scan3A_194 = arith.constant 256 : i32
      %scan3A_195 = arith.addi %scan3A_193, %scan3A_194 : i32
      %scan3A_196 = arith.constant 2 : i32
      %scan3A_197:8 = scf.for %scan3A_278 = %scan3A_193 to %scan3A_195 step %scan3A_196 iter_args(%scan3A_279 = %broadcast_in_dim3A_178, %scan3A_280 = %broadcast_in_dim3A_180, %scan3A_281 = %broadcast_in_dim3A_182, %scan3A_282 = %broadcast_in_dim3A_184, %scan3A_283 = %broadcast_in_dim3A_186, %scan3A_284 = %broadcast_in_dim3A_188, %scan3A_285 = %broadcast_in_dim3A_190, %scan3A_286 = %broadcast_in_dim3A_192) -> (vector<16xf32>, vector<16xf32>, vector<16xf32>, vector<16xf32>, vector<16xf32>, vector<16xf32>, vector<16xf32>, vector<16xf32>)  : i32 {
        %mul3A_287 = arith.constant 16 : i32
        %mul3A_288 = arith.muli %scan3A_278, %mul3A_287 : i32
        %multiple_of3A = tpu.assume_multiple %mul3A_288, 16 : i32
        %get3A = arith.index_cast %multiple_of3A : i32 to index
        %get3A_289 = tpu.vector_load %arg6[%get3A] {strides = array<i32>} : memref<4096xf32, #tpu.memory_space<vmem>>, vector<16xf32>,
        %get3A_290 = arith.constant 0 : i32
        %get3A_291 = arith.index_cast %get3A_290 : i32 to index
        %get3A_292 = arith.index_cast %multiple_of3A : i32 to index
        %get3A_293 = tpu.vector_load %arg8[%get3A_291, %get3A_292] {strides = array<i32>} : memref<8x4096xf32, #tpu.memory_space<vmem>>, vector<16xf32>,
        %mul3A_294 = arith.mulf %get3A_293, %get3A_289 : vector<16xf32>
        %add3A_295 = arith.addf %scan3A_279, %mul3A_294 : vector<16xf32>
        %get3A_296 = arith.constant 1 : i32
        %get3A_297 = arith.index_cast %get3A_296 : i32 to index
        %get3A_298 = arith.index_cast %multiple_of3A : i32 to index
        %get3A_299 = tpu.vector_load %arg8[%get3A_297, %get3A_298] {strides = array<i32>} : memref<8x4096xf32, #tpu.memory_space<vmem>>, vector<16xf32>,
        %mul3A_300 = arith.mulf %get3A_299, %get3A_289 : vector<16xf32>
        %add3A_301 = arith.addf %scan3A_280, %mul3A_300 : vector<16xf32>
        %get3A_302 = arith.constant 2 : i32
        %get3A_303 = arith.index_cast %get3A_302 : i32 to index
        %get3A_304 = arith.index_cast %multiple_of3A : i32 to index
        %get3A_305 = tpu.vector_load %arg8[%get3A_303, %get3A_304] {strides = array<i32>} : memref<8x4096xf32, #tpu.memory_space<vmem>>, vector<16xf32>,
        %mul3A_306 = arith.mulf %get3A_305, %get3A_289 : vector<16xf32>
        %add3A_307 = arith.addf %scan3A_281, %mul3A_306 : vector<16xf32>
        %get3A_308 = arith.constant 3 : i32
        %get3A_309 = arith.index_cast %get3A_308 : i32 to index
        %get3A_310 = arith.index_cast %multiple_of3A : i32 to index
        %get3A_311 = tpu.vector_load %arg8[%get3A_309, %get3A_310] {strides = array<i32>} : memref<8x4096xf32, #tpu.memory_space<vmem>>, vector<16xf32>,
        %mul3A_312 = arith.mulf %get3A_311, %get3A_289 : vector<16xf32>
        %add3A_313 = arith.addf %scan3A_282, %mul3A_312 : vector<16xf32>
        %get3A_314 = arith.constant 4 : i32
        %get3A_315 = arith.index_cast %get3A_314 : i32 to index
        %get3A_316 = arith.index_cast %multiple_of3A : i32 to index
        %get3A_317 = tpu.vector_load %arg8[%get3A_315, %get3A_316] {strides = array<i32>} : memref<8x4096xf32, #tpu.memory_space<vmem>>, vector<16xf32>,
        %mul3A_318 = arith.mulf %get3A_317, %get3A_289 : vector<16xf32>
        %add3A_319 = arith.addf %scan3A_283, %mul3A_318 : vector<16xf32>
        %get3A_320 = arith.constant 5 : i32
        %get3A_321 = arith.index_cast %get3A_320 : i32 to index
        %get3A_322 = arith.index_cast %multiple_of3A : i32 to index
        %get3A_323 = tpu.vector_load %arg8[%get3A_321, %get3A_322] {strides = array<i32>} : memref<8x4096xf32, #tpu.memory_space<vmem>>, vector<16xf32>,
        %mul3A_324 = arith.mulf %get3A_323, %get3A_289 : vector<16xf32>
        %add3A_325 = arith.addf %scan3A_284, %mul3A_324 : vector<16xf32>
        %get3A_326 = arith.constant 6 : i32
        %get3A_327 = arith.index_cast %get3A_326 : i32 to index
        %get3A_328 = arith.index_cast %multiple_of3A : i32 to index
        %get3A_329 = tpu.vector_load %arg8[%get3A_327, %get3A_328] {strides = array<i32>} : memref<8x4096xf32, #tpu.memory_space<vmem>>, vector<16xf32>,
        %mul3A_330 = arith.mulf %get3A_329, %get3A_289 : vector<16xf32>
        %add3A_331 = arith.addf %scan3A_285, %mul3A_330 : vector<16xf32>
        %get3A_332 = arith.constant 7 : i32
        %get3A_333 = arith.index_cast %get3A_332 : i32 to index
        %get3A_334 = arith.index_cast %multiple_of3A : i32 to index
        %get3A_335 = tpu.vector_load %arg8[%get3A_333, %get3A_334] {strides = array<i32>} : memref<8x4096xf32, #tpu.memory_space<vmem>>, vector<16xf32>,
        %mul3A_336 = arith.mulf %get3A_335, %get3A_289 : vector<16xf32>
        %add3A_337 = arith.addf %scan3A_286, %mul3A_336 : vector<16xf32>
        %scan3A_338 = arith.constant 1 : i32
        %scan3A_339 = arith.addi %scan3A_278, %scan3A_338 : i32
        %mul3A_340 = arith.constant 16 : i32
        %mul3A_341 = arith.muli %scan3A_339, %mul3A_340 : i32
        %multiple_of3A_342 = tpu.assume_multiple %mul3A_341, 16 : i32
        %get3A_343 = arith.index_cast %multiple_of3A_342 : i32 to index
        %get3A_344 = tpu.vector_load %arg6[%get3A_343] {strides = array<i32>} : memref<4096xf32, #tpu.memory_space<vmem>>, vector<16xf32>,
        %get3A_345 = arith.constant 0 : i32
        %get3A_346 = arith.index_cast %get3A_345 : i32 to index
        %get3A_347 = arith.index_cast %multiple_of3A_342 : i32 to index
        %get3A_348 = tpu.vector_load %arg8[%get3A_346, %get3A_347] {strides = array<i32>} : memref<8x4096xf32, #tpu.memory_space<vmem>>, vector<16xf32>,
        %mul3A_349 = arith.mulf %get3A_348, %get3A_344 : vector<16xf32>
        %add3A_350 = arith.addf %add3A_295, %mul3A_349 : vector<16xf32>
        %get3A_351 = arith.constant 1 : i32
        %get3A_352 = arith.index_cast %get3A_351 : i32 to index
        %get3A_353 = arith.index_cast %multiple_of3A_342 : i32 to index
        %get3A_354 = tpu.vector_load %arg8[%get3A_352, %get3A_353] {strides = array<i32>} : memref<8x4096xf32, #tpu.memory_space<vmem>>, vector<16xf32>,
        %mul3A_355 = arith.mulf %get3A_354, %get3A_344 : vector<16xf32>
        %add3A_356 = arith.addf %add3A_301, %mul3A_355 : vector<16xf32>
        %get3A_357 = arith.constant 2 : i32
        %get3A_358 = arith.index_cast %get3A_357 : i32 to index
        %get3A_359 = arith.index_cast %multiple_of3A_342 : i32 to index
        %get3A_360 = tpu.vector_load %arg8[%get3A_358, %get3A_359] {strides = array<i32>} : memref<8x4096xf32, #tpu.memory_space<vmem>>, vector<16xf32>,
        %mul3A_361 = arith.mulf %get3A_360, %get3A_344 : vector<16xf32>
        %add3A_362 = arith.addf %add3A_307, %mul3A_361 : vector<16xf32>
        %get3A_363 = arith.constant 3 : i32
        %get3A_364 = arith.index_cast %get3A_363 : i32 to index
        %get3A_365 = arith.index_cast %multiple_of3A_342 : i32 to index
        %get3A_366 = tpu.vector_load %arg8[%get3A_364, %get3A_365] {strides = array<i32>} : memref<8x4096xf32, #tpu.memory_space<vmem>>, vector<16xf32>,
        %mul3A_367 = arith.mulf %get3A_366, %get3A_344 : vector<16xf32>
        %add3A_368 = arith.addf %add3A_313, %mul3A_367 : vector<16xf32>
        %get3A_369 = arith.constant 4 : i32
        %get3A_370 = arith.index_cast %get3A_369 : i32 to index
        %get3A_371 = arith.index_cast %multiple_of3A_342 : i32 to index
        %get3A_372 = tpu.vector_load %arg8[%get3A_370, %get3A_371] {strides = array<i32>} : memref<8x4096xf32, #tpu.memory_space<vmem>>, vector<16xf32>,
        %mul3A_373 = arith.mulf %get3A_372, %get3A_344 : vector<16xf32>
        %add3A_374 = arith.addf %add3A_319, %mul3A_373 : vector<16xf32>
        %get3A_375 = arith.constant 5 : i32
        %get3A_376 = arith.index_cast %get3A_375 : i32 to index
        %get3A_377 = arith.index_cast %multiple_of3A_342 : i32 to index
        %get3A_378 = tpu.vector_load %arg8[%get3A_376, %get3A_377] {strides = array<i32>} : memref<8x4096xf32, #tpu.memory_space<vmem>>, vector<16xf32>,
        %mul3A_379 = arith.mulf %get3A_378, %get3A_344 : vector<16xf32>
        %add3A_380 = arith.addf %add3A_325, %mul3A_379 : vector<16xf32>
        %get3A_381 = arith.constant 6 : i32
        %get3A_382 = arith.index_cast %get3A_381 : i32 to index
        %get3A_383 = arith.index_cast %multiple_of3A_342 : i32 to index
        %get3A_384 = tpu.vector_load %arg8[%get3A_382, %get3A_383] {strides = array<i32>} : memref<8x4096xf32, #tpu.memory_space<vmem>>, vector<16xf32>,
        %mul3A_385 = arith.mulf %get3A_384, %get3A_344 : vector<16xf32>
        %add3A_386 = arith.addf %add3A_331, %mul3A_385 : vector<16xf32>
        %get3A_387 = arith.constant 7 : i32
        %get3A_388 = arith.index_cast %get3A_387 : i32 to index
        %get3A_389 = arith.index_cast %multiple_of3A_342 : i32 to index
        %get3A_390 = tpu.vector_load %arg8[%get3A_388, %get3A_389] {strides = array<i32>} : memref<8x4096xf32, #tpu.memory_space<vmem>>, vector<16xf32>,
        %mul3A_391 = arith.mulf %get3A_390, %get3A_344 : vector<16xf32>
        %add3A_392 = arith.addf %add3A_337, %mul3A_391 : vector<16xf32>
        scf.yield %add3A_350, %add3A_356, %add3A_362, %add3A_368, %add3A_374, %add3A_380, %add3A_386, %add3A_392 : vector<16xf32>, vector<16xf32>, vector<16xf32>, vector<16xf32>, vector<16xf32>, vector<16xf32>, vector<16xf32>, vector<16xf32>
      }
      %scan3A_198 = arith.constant 256 : i32
      %reduce_sum3A_199 = arith.constant true
      %reduce_sum3A_200 = vector.broadcast %reduce_sum3A_199 : i1 to vector<16xi1>
      %reduce_sum3A_201 = tpu.scan <sum>, %scan3A_197#0 masked %reduce_sum3A_200 : vector<16xf32>, vector<16xi1> -> vector<16xf32>
      %reduce_sum3A_202 = vector.extract %reduce_sum3A_201[15] : f32 from vector<16xf32>
      %gt3A_203 = arith.cmpf ogt, %reduce_sum3A_202, %select_n3A_162 : f32
      %add3A_204 = arith.constant 0 : i32
      %add3A_205 = arith.addi %add3A_176, %add3A_204 : i32
      %select_n3A_206 = arith.select %gt3A_203, %add3A_205, %select_n3A_161 : i32
      %select_n3A_207 = arith.select %gt3A_203, %reduce_sum3A_202, %select_n3A_162 : f32
      %reduce_sum3A_208 = arith.constant true
      %reduce_sum3A_209 = vector.broadcast %reduce_sum3A_208 : i1 to vector<16xi1>
      %reduce_sum3A_210 = tpu.scan <sum>, %scan3A_197#1 masked %reduce_sum3A_209 : vector<16xf32>, vector<16xi1> -> vector<16xf32>
      %reduce_sum3A_211 = vector.extract %reduce_sum3A_210[15] : f32 from vector<16xf32>
      %gt3A_212 = arith.cmpf ogt, %reduce_sum3A_211, %select_n3A_207 : f32
      %add3A_213 = arith.constant 1 : i32
      %add3A_214 = arith.addi %add3A_176, %add3A_213 : i32
      %select_n3A_215 = arith.select %gt3A_212, %add3A_214, %select_n3A_206 : i32
      %select_n3A_216 = arith.select %gt3A_212, %reduce_sum3A_211, %select_n3A_207 : f32
      %reduce_sum3A_217 = arith.constant true
      %reduce_sum3A_218 = vector.broadcast %reduce_sum3A_217 : i1 to vector<16xi1>
      %reduce_sum3A_219 = tpu.scan <sum>, %scan3A_197#2 masked %reduce_sum3A_218 : vector<16xf32>, vector<16xi1> -> vector<16xf32>
      %reduce_sum3A_220 = vector.extract %reduce_sum3A_219[15] : f32 from vector<16xf32>
      %gt3A_221 = arith.cmpf ogt, %reduce_sum3A_220, %select_n3A_216 : f32
      %add3A_222 = arith.constant 2 : i32
      %add3A_223 = arith.addi %add3A_176, %add3A_222 : i32
      %select_n3A_224 = arith.select %gt3A_221, %add3A_223, %select_n3A_215 : i32
      %select_n3A_225 = arith.select %gt3A_221, %reduce_sum3A_220, %select_n3A_216 : f32
      %reduce_sum3A_226 = arith.constant true
      %reduce_sum3A_227 = vector.broadcast %reduce_sum3A_226 : i1 to vector<16xi1>
      %reduce_sum3A_228 = tpu.scan <sum>, %scan3A_197#3 masked %reduce_sum3A_227 : vector<16xf32>, vector<16xi1> -> vector<16xf32>
      %reduce_sum3A_229 = vector.extract %reduce_sum3A_228[15] : f32 from vector<16xf32>
      %gt3A_230 = arith.cmpf ogt, %reduce_sum3A_229, %select_n3A_225 : f32
      %add3A_231 = arith.constant 3 : i32
      %add3A_232 = arith.addi %add3A_176, %add3A_231 : i32
      %select_n3A_233 = arith.select %gt3A_230, %add3A_232, %select_n3A_224 : i32
      %select_n3A_234 = arith.select %gt3A_230, %reduce_sum3A_229, %select_n3A_225 : f32
      %reduce_sum3A_235 = arith.constant true
      %reduce_sum3A_236 = vector.broadcast %reduce_sum3A_235 : i1 to vector<16xi1>
      %reduce_sum3A_237 = tpu.scan <sum>, %scan3A_197#4 masked %reduce_sum3A_236 : vector<16xf32>, vector<16xi1> -> vector<16xf32>
      %reduce_sum3A_238 = vector.extract %reduce_sum3A_237[15] : f32 from vector<16xf32>
      %gt3A_239 = arith.cmpf ogt, %reduce_sum3A_238, %select_n3A_234 : f32
      %add3A_240 = arith.constant 4 : i32
      %add3A_241 = arith.addi %add3A_176, %add3A_240 : i32
      %select_n3A_242 = arith.select %gt3A_239, %add3A_241, %select_n3A_233 : i32
      %select_n3A_243 = arith.select %gt3A_239, %reduce_sum3A_238, %select_n3A_234 : f32
      %reduce_sum3A_244 = arith.constant true
      %reduce_sum3A_245 = vector.broadcast %reduce_sum3A_244 : i1 to vector<16xi1>
      %reduce_sum3A_246 = tpu.scan <sum>, %scan3A_197#5 masked %reduce_sum3A_245 : vector<16xf32>, vector<16xi1> -> vector<16xf32>
      %reduce_sum3A_247 = vector.extract %reduce_sum3A_246[15] : f32 from vector<16xf32>
      %gt3A_248 = arith.cmpf ogt, %reduce_sum3A_247, %select_n3A_243 : f32
      %add3A_249 = arith.constant 5 : i32
      %add3A_250 = arith.addi %add3A_176, %add3A_249 : i32
      %select_n3A_251 = arith.select %gt3A_248, %add3A_250, %select_n3A_242 : i32
      %select_n3A_252 = arith.select %gt3A_248, %reduce_sum3A_247, %select_n3A_243 : f32
      %reduce_sum3A_253 = arith.constant true
      %reduce_sum3A_254 = vector.broadcast %reduce_sum3A_253 : i1 to vector<16xi1>
      %reduce_sum3A_255 = tpu.scan <sum>, %scan3A_197#6 masked %reduce_sum3A_254 : vector<16xf32>, vector<16xi1> -> vector<16xf32>
      %reduce_sum3A_256 = vector.extract %reduce_sum3A_255[15] : f32 from vector<16xf32>
      %gt3A_257 = arith.cmpf ogt, %reduce_sum3A_256, %select_n3A_252 : f32
      %add3A_258 = arith.constant 6 : i32
      %add3A_259 = arith.addi %add3A_176, %add3A_258 : i32
      %select_n3A_260 = arith.select %gt3A_257, %add3A_259, %select_n3A_251 : i32
      %select_n3A_261 = arith.select %gt3A_257, %reduce_sum3A_256, %select_n3A_252 : f32
      %reduce_sum3A_262 = arith.constant true
      %reduce_sum3A_263 = vector.broadcast %reduce_sum3A_262 : i1 to vector<16xi1>
      %reduce_sum3A_264 = tpu.scan <sum>, %scan3A_197#7 masked %reduce_sum3A_263 : vector<16xf32>, vector<16xi1> -> vector<16xf32>
      %reduce_sum3A_265 = vector.extract %reduce_sum3A_264[15] : f32 from vector<16xf32>
      %gt3A_266 = arith.cmpf ogt, %reduce_sum3A_265, %select_n3A_261 : f32
      %add3A_267 = arith.constant 7 : i32
      %add3A_268 = arith.addi %add3A_176, %add3A_267 : i32
      %select_n3A_269 = arith.select %gt3A_266, %add3A_268, %select_n3A_260 : i32
      %select_n3A_270 = arith.select %gt3A_266, %reduce_sum3A_265, %select_n3A_261 : f32
      %add3A_271 = arith.constant 3 : i32
      %add3A_272 = arith.addi %mul3A_64, %add3A_271 : i32
      %lt3A_273 = arith.constant 48 : i32
      %lt3A_274 = arith.cmpi slt, %add3A_272, %lt3A_273 : i32
      %convert_element_type3A_275 = arith.extui %lt3A_274 : i1 to i32
      %cond3A_276 = arith.constant 0 : i32
      %cond3A_277 = arith.cmpi ne, %convert_element_type3A_275, %cond3A_276 : i32
      scf.if %cond3A_277 {
        %add3A_278 = arith.constant 3 : i32
        %add3A_279 = arith.addi %mul3A_64, %add3A_278 : i32
        %mul3A_280 = arith.constant 8 : i32
        %mul3A_281 = arith.muli %add3A_279, %mul3A_280 : i32
        %add3A_282 = arith.addi %add3A_37, %mul3A_281 : i32
        %dma_start3A_283 = arith.constant 0 : i32
        %dma_start3A_284 = tpu.memref_slice %arg2[%add3A_282, %dma_start3A_283] : memref<32768x4096xf32, #tpu.memory_space<hbm>> -> memref<8x4096xf32, #tpu.memory_space<hbm>>
        %dma_start3A_285 = arith.constant 0 : i32
        %dma_start3A_286 = tpu.memref_slice %arg2[%add3A_282, %dma_start3A_285] : memref<32768x4096xf32, #tpu.memory_space<hbm>> -> memref<8x4096xf32, #tpu.memory_space<hbm>>
        tpu.enqueue_dma source(%dma_start3A_286 : memref<8x4096xf32, #tpu.memory_space<hbm>>) target(%arg8 : memref<8x4096xf32, #tpu.memory_space<vmem>>) target_semaphore(%arg12 : memref<!tpu.dma_semaphore, #tpu.memory_space<semaphore_mem>>)
      } else {
      }
      scf.yield %select_n3A_270, %select_n3A_269 : f32, i32
    }
    %scan3A_55 = arith.constant 24 : i32
    %broadcast_in_dim3A = vector.broadcast %scan3A_54#0 : f32 to vector<16xf32>
    %swap3A = arith.constant 0 : index
    %swap3A_56 = tpu.vector_load %arg9[%swap3A] {strides = array<i32>} : memref<16xf32, #tpu.memory_space<vmem>>, vector<16xf32>,
    tpu.vector_store %arg9[%swap3A], %broadcast_in_dim3A {strides = array<i32>} : memref<16xf32, #tpu.memory_space<vmem>>, vector<16xf32>,
    %broadcast_in_dim3A_57 = vector.broadcast %scan3A_54#1 : i32 to vector<16xi32>
    %swap3A_58 = arith.constant 0 : index
    %swap3A_59 = tpu.vector_load %arg10[%swap3A_58] {strides = array<i32>} : memref<16xi32, #tpu.memory_space<vmem>>, vector<16xi32>,
    tpu.vector_store %arg10[%swap3A_58], %broadcast_in_dim3A_57 {strides = array<i32>} : memref<16xi32, #tpu.memory_space<vmem>>, vector<16xi32>,
    "tpu.region"() ({
      %run_scoped3A_60 = tpu.sem_alloc : memref<!tpu.dma_semaphore, #tpu.memory_space<semaphore_mem>>
      %dma_start3A_61 = arith.constant 0 : i32
      %dma_start3A_62 = tpu.memref_slice %arg4[%add3A, %dma_start3A_61] : memref<32x16xf32, #tpu.memory_space<hbm>> -> memref<1x16xf32, #tpu.memory_space<hbm>>
      %dma_start3A_63 = tpu.memref_squeeze %dma_start3A_62 : memref<1x16xf32, #tpu.memory_space<hbm>> -> memref<16xf32, #tpu.memory_space<hbm>>
      %dma_start3A_64 = arith.constant 0 : i32
      %dma_start3A_65 = tpu.memref_slice %arg4[%add3A, %dma_start3A_64] : memref<32x16xf32, #tpu.memory_space<hbm>> -> memref<1x16xf32, #tpu.memory_space<hbm>>
      %dma_start3A_66 = tpu.memref_squeeze %dma_start3A_65 : memref<1x16xf32, #tpu.memory_space<hbm>> -> memref<16xf32, #tpu.memory_space<hbm>>
      tpu.enqueue_dma source(%arg9 : memref<16xf32, #tpu.memory_space<vmem>>) target(%dma_start3A_66 : memref<16xf32, #tpu.memory_space<hbm>>) target_semaphore(%run_scoped3A_60 : memref<!tpu.dma_semaphore, #tpu.memory_space<semaphore_mem>>)
      %dma_wait3A = arith.constant 0 : i32
      %dma_wait3A_67 = tpu.memref_slice %arg4[%add3A, %dma_wait3A] : memref<32x16xf32, #tpu.memory_space<hbm>> -> memref<1x16xf32, #tpu.memory_space<hbm>>
      %dma_wait3A_68 = tpu.memref_squeeze %dma_wait3A_67 : memref<1x16xf32, #tpu.memory_space<hbm>> -> memref<16xf32, #tpu.memory_space<hbm>>
      %dma_wait3A_69 = arith.constant 0 : i32
      %dma_wait3A_70 = tpu.memref_slice %arg4[%add3A, %dma_wait3A_69] : memref<32x16xf32, #tpu.memory_space<hbm>> -> memref<1x16xf32, #tpu.memory_space<hbm>>
      %dma_wait3A_71 = tpu.memref_squeeze %dma_wait3A_70 : memref<1x16xf32, #tpu.memory_space<hbm>> -> memref<16xf32, #tpu.memory_space<hbm>>
      tpu.wait_dma2 semaphore(%run_scoped3A_60 : memref<!tpu.dma_semaphore, #tpu.memory_space<semaphore_mem>>) src(%arg9 : memref<16xf32, #tpu.memory_space<vmem>>) dst(%dma_wait3A_71 : memref<16xf32, #tpu.memory_space<hbm>>)
      tpu.yield
    }) : () -> ()
    "tpu.region"() ({
      %run_scoped3A_60 = tpu.sem_alloc : memref<!tpu.dma_semaphore, #tpu.memory_space<semaphore_mem>>
      %dma_start3A_61 = arith.constant 0 : i32
      %dma_start3A_62 = tpu.memref_slice %arg5[%add3A, %dma_start3A_61] : memref<32x16xi32, #tpu.memory_space<hbm>> -> memref<1x16xi32, #tpu.memory_space<hbm>>
      %dma_start3A_63 = tpu.memref_squeeze %dma_start3A_62 : memref<1x16xi32, #tpu.memory_space<hbm>> -> memref<16xi32, #tpu.memory_space<hbm>>
      %dma_start3A_64 = arith.constant 0 : i32
      %dma_start3A_65 = tpu.memref_slice %arg5[%add3A, %dma_start3A_64] : memref<32x16xi32, #tpu.memory_space<hbm>> -> memref<1x16xi32, #tpu.memory_space<hbm>>
      %dma_start3A_66 = tpu.memref_squeeze %dma_start3A_65 : memref<1x16xi32, #tpu.memory_space<hbm>> -> memref<16xi32, #tpu.memory_space<hbm>>
      tpu.enqueue_dma source(%arg10 : memref<16xi32, #tpu.memory_space<vmem>>) target(%dma_start3A_66 : memref<16xi32, #tpu.memory_space<hbm>>) target_semaphore(%run_scoped3A_60 : memref<!tpu.dma_semaphore, #tpu.memory_space<semaphore_mem>>)
      %dma_wait3A = arith.constant 0 : i32
      %dma_wait3A_67 = tpu.memref_slice %arg5[%add3A, %dma_wait3A] : memref<32x16xi32, #tpu.memory_space<hbm>> -> memref<1x16xi32, #tpu.memory_space<hbm>>
      %dma_wait3A_68 = tpu.memref_squeeze %dma_wait3A_67 : memref<1x16xi32, #tpu.memory_space<hbm>> -> memref<16xi32, #tpu.memory_space<hbm>>
      %dma_wait3A_69 = arith.constant 0 : i32
      %dma_wait3A_70 = tpu.memref_slice %arg5[%add3A, %dma_wait3A_69] : memref<32x16xi32, #tpu.memory_space<hbm>> -> memref<1x16xi32, #tpu.memory_space<hbm>>
      %dma_wait3A_71 = tpu.memref_squeeze %dma_wait3A_70 : memref<1x16xi32, #tpu.memory_space<hbm>> -> memref<16xi32, #tpu.memory_space<hbm>>
      tpu.wait_dma2 semaphore(%run_scoped3A_60 : memref<!tpu.dma_semaphore, #tpu.memory_space<semaphore_mem>>) src(%arg10 : memref<16xi32, #tpu.memory_space<vmem>>) dst(%dma_wait3A_71 : memref<16xi32, #tpu.memory_space<hbm>>)
      tpu.yield
    }) : () -> ()
    return
  }
}

module attributes {stable_mosaic.version = 14 : i64} {
  func.func @_merge_body(%arg0: i32, %arg1: memref<32x16xf32, #tpu.memory_space<vmem>>, %arg2: memref<32x16xi32, #tpu.memory_space<vmem>>, %arg3: memref<4xf32, #tpu.memory_space<smem>>, %arg4: memref<4xi32, #tpu.memory_space<smem>>, %arg5: memref<32768x4096xf32, #tpu.memory_space<hbm>>, %arg6: memref<1x1x4096xf32, #tpu.memory_space<vmem>>, %arg7: memref<4xi32, #tpu.memory_space<smem>>, %arg8: memref<1x4096xf32, #tpu.memory_space<vmem>>, %arg9: memref<!tpu.dma_semaphore, #tpu.memory_space<semaphore_mem>>) attributes {dimension_semantics = [#tpu.dimension_semantics<arbitrary>], iteration_bounds = array<i64: 4>, scalar_prefetch = 0 : i64, scratch_operands = 2 : i64, tpu.core_type = #tpu.core_type<tc>, window_params = [{pipeline_mode = #tpu.pipeline_mode<synchronous>, transform_indices = @transform_0, window_bounds = array<i64: 32, 16>}, {pipeline_mode = #tpu.pipeline_mode<synchronous>, transform_indices = @transform_1, window_bounds = array<i64: 32, 16>}, {transform_indices = @transform_2, window_bounds = array<i64: 4>}, {transform_indices = @transform_3, window_bounds = array<i64: 4>}, {}, {transform_indices = @transform_5, window_bounds = array<i64: 1, 1, 4096>}, {transform_indices = @transform_6, window_bounds = array<i64: 4>}]} {
    %mul3A = arith.constant 8 : i32
    %mul3A_0 = arith.muli %arg0, %mul3A : i32
    %get3A = arith.index_cast %mul3A_0 : i32 to index
    %get3A_1 = arith.constant 0 : index
    %get3A_2 = vector.load %arg1[%get3A, %get3A_1] : memref<32x16xf32, #tpu.memory_space<vmem>>, vector<8x16xf32>
    %mul3A_3 = arith.constant 8 : i32
    %mul3A_4 = arith.muli %arg0, %mul3A_3 : i32
    %get3A_5 = arith.index_cast %mul3A_4 : i32 to index
    %get3A_6 = arith.constant 0 : index
    %get3A_7 = vector.load %arg2[%get3A_5, %get3A_6] : memref<32x16xi32, #tpu.memory_space<vmem>>, vector<8x16xi32>
    %reduce_max3A = vector.shape_cast %get3A_2 : vector<8x16xf32> to vector<1x8x16xf32>
    %reduce_max3A_8 = arith.constant dense<0xFF800000> : vector<1xf32>
    %reduce_max3A_9 = vector.multi_reduction <maximumf>, %reduce_max3A, %reduce_max3A_8 [1, 2] : vector<1x8x16xf32> to vector<1xf32>
    %reduce_max3A_10 = vector.shape_cast %reduce_max3A_9 : vector<1xf32> to vector<1x1x1xf32>
    %reduce_max3A_11 = vector.extract %reduce_max3A_10[0, 0, 0] : f32 from vector<1x1x1xf32>
    %eq3A = vector.broadcast %reduce_max3A_11 : f32 to vector<8x16xf32>
    %eq3A_12 = arith.cmpf oeq, %get3A_2, %eq3A : vector<8x16xf32>
    %jit3A = arith.constant 1073741824 : i32
    %broadcast_in_dim3A = vector.broadcast %jit3A : i32 to vector<8x16xi32>
    %select_n3A = arith.select %eq3A_12, %get3A_7, %broadcast_in_dim3A : vector<8x16xi1>, vector<8x16xi32>
    %reduce_min3A = vector.shape_cast %select_n3A : vector<8x16xi32> to vector<1x8x16xi32>
    %reduce_min3A_13 = arith.constant dense<2147483647> : vector<1xi32>
    %reduce_min3A_14 = vector.multi_reduction <minsi>, %reduce_min3A, %reduce_min3A_13 [1, 2] : vector<1x8x16xi32> to vector<1xi32>
    %reduce_min3A_15 = vector.shape_cast %reduce_min3A_14 : vector<1xi32> to vector<1x1x1xi32>
    %reduce_min3A_16 = vector.extract %reduce_min3A_15[0, 0, 0] : i32 from vector<1x1x1xi32>
    %get3A_17 = arith.index_cast %arg0 : i32 to index
    %get3A_18 = memref.load %arg3[%get3A_17] : memref<4xf32, #tpu.memory_space<smem>>
    %mul3A_19 = arith.constant 8192 : i32
    %mul3A_20 = arith.muli %arg0, %mul3A_19 : i32
    %get3A_21 = arith.index_cast %arg0 : i32 to index
    %get3A_22 = memref.load %arg4[%get3A_21] : memref<4xi32, #tpu.memory_space<smem>>
    %add3A = arith.addi %mul3A_20, %get3A_22 : i32
    %ge3A = arith.cmpf oge, %get3A_18, %reduce_max3A_11 : f32
    %select_n3A_23 = arith.select %ge3A, %add3A, %reduce_min3A_16 : i32
    %mul3A_24 = arith.constant 8192 : i32
    %mul3A_25 = arith.muli %arg0, %mul3A_24 : i32
    %sub3A = arith.subi %select_n3A_23, %mul3A_25 : i32
    %swap3A = arith.index_cast %arg0 : i32 to index
    %swap3A_26 = memref.load %arg7[%swap3A] : memref<4xi32, #tpu.memory_space<smem>>
    memref.store %sub3A, %arg7[%swap3A] : memref<4xi32, #tpu.memory_space<smem>>
    %dma_start3A = arith.constant 0 : i32
    %dma_start3A_27 = tpu.memref_slice %arg5[%select_n3A_23, %dma_start3A] : memref<32768x4096xf32, #tpu.memory_space<hbm>> -> memref<1x4096xf32, #tpu.memory_space<hbm>>
    tpu.enqueue_dma source(%dma_start3A_27 : memref<1x4096xf32, #tpu.memory_space<hbm>>) target(%arg8 : memref<1x4096xf32, #tpu.memory_space<vmem>>) target_semaphore(%arg9 : memref<!tpu.dma_semaphore, #tpu.memory_space<semaphore_mem>>)
    %dma_wait3A = arith.constant 0 : i32
    %dma_wait3A_28 = tpu.memref_slice %arg5[%select_n3A_23, %dma_wait3A] : memref<32768x4096xf32, #tpu.memory_space<hbm>> -> memref<1x4096xf32, #tpu.memory_space<hbm>>
    tpu.wait_dma2 semaphore(%arg9 : memref<!tpu.dma_semaphore, #tpu.memory_space<semaphore_mem>>) src(%dma_wait3A_28 : memref<1x4096xf32, #tpu.memory_space<hbm>>) dst(%arg8 : memref<1x4096xf32, #tpu.memory_space<vmem>>)
    %get3A_29 = arith.constant 0 : index
    %get3A_30 = arith.constant 0 : index
    %get3A_31 = vector.load %arg8[%get3A_29, %get3A_30] : memref<1x4096xf32, #tpu.memory_space<vmem>>, vector<1x4096xf32>
    %swap3A_32 = arith.constant 0 : index
    %swap3A_33 = arith.constant 0 : index
    %swap3A_34 = arith.constant 0 : index
    %swap3A_35 = vector.load %arg6[%swap3A_32, %swap3A_33, %swap3A_34] : memref<1x1x4096xf32, #tpu.memory_space<vmem>>, vector<1x1x4096xf32>
    %swap3A_36 = vector.shape_cast %swap3A_35 : vector<1x1x4096xf32> to vector<1x4096xf32>
    %swap3A_37 = vector.shape_cast %get3A_31 : vector<1x4096xf32> to vector<1x1x4096xf32>
    tpu.vector_store %arg6[%swap3A_32, %swap3A_33, %swap3A_34], %swap3A_37 {strides = array<i32>} : memref<1x1x4096xf32, #tpu.memory_space<vmem>>, vector<1x1x4096xf32>,
    return
  }
  func.func @transform_0(%arg0: i32) -> (i32, i32) {
    %c0_i32 = arith.constant 0 : i32
    %c0_i32_0 = arith.constant 0 : i32
    %c0_i32_1 = arith.constant 0 : i32
    return %c0_i32, %c0_i32_0 : i32, i32
  }
  func.func @transform_1(%arg0: i32) -> (i32, i32) {
    %c0_i32 = arith.constant 0 : i32
    %c0_i32_0 = arith.constant 0 : i32
    %c0_i32_1 = arith.constant 0 : i32
    return %c0_i32, %c0_i32_0 : i32, i32
  }
  func.func @transform_2(%arg0: i32) -> i32 {
    %c0_i32 = arith.constant 0 : i32
    %c0_i32_0 = arith.constant 0 : i32
    return %c0_i32 : i32
  }
  func.func @transform_3(%arg0: i32) -> i32 {
    %c0_i32 = arith.constant 0 : i32
    %c0_i32_0 = arith.constant 0 : i32
    return %c0_i32 : i32
  }
  func.func @transform_5(%arg0: i32) -> (i32, i32, i32) {
    %c0_i32 = arith.constant 0 : i32
    %c0_i32_0 = arith.constant 0 : i32
    %c0_i32_1 = arith.constant 0 : i32
    return %arg0, %c0_i32, %c0_i32_0 : i32, i32, i32
  }
  func.func @transform_6(%arg0: i32) -> i32 {
    %c0_i32 = arith.constant 0 : i32
    %c0_i32_0 = arith.constant 0 : i32
    return %c0_i32 : i32
  }
}

module attributes {stable_mosaic.version = 14 : i64} {
  func.func @_tc_score_body(%arg0: i32, %arg1: i32, %arg2: memref<1x512x4096xf32, #tpu.memory_space<vmem>>, %arg3: memref<1x4096xf32, #tpu.memory_space<vmem>>, %arg4: memref<4xf32, #tpu.memory_space<smem>>, %arg5: memref<4xi32, #tpu.memory_space<smem>>, %arg6: memref<1xf32, #tpu.memory_space<smem>>) attributes {dimension_semantics = [#tpu.dimension_semantics<arbitrary>, #tpu.dimension_semantics<arbitrary>], iteration_bounds = array<i64: 4, 10>, scalar_prefetch = 0 : i64, scratch_operands = 1 : i64, tpu.core_type = #tpu.core_type<tc>, window_params = [{transform_indices = @transform_0, window_bounds = array<i64: 1, 512, 4096>}, {pipeline_mode = #tpu.pipeline_mode<synchronous>, transform_indices = @transform_1, window_bounds = array<i64: 1, 4096>}, {transform_indices = @transform_2, window_bounds = array<i64: 4>}, {transform_indices = @transform_3, window_bounds = array<i64: 4>}]} {
    %eq3A = arith.constant 0 : i32
    %eq3A_0 = arith.cmpi eq, %arg1, %eq3A : i32
    %convert_element_type3A = arith.extui %eq3A_0 : i1 to i32
    %cond3A = arith.constant 0 : i32
    %cond3A_1 = arith.cmpi ne, %convert_element_type3A, %cond3A : i32
    scf.if %cond3A_1 {
      %swap3A = arith.constant 0xFF800000 : f32
      %swap3A_27 = arith.constant 0 : index
      %swap3A_28 = memref.load %arg6[%swap3A_27] : memref<1xf32, #tpu.memory_space<smem>>
      memref.store %swap3A, %arg6[%swap3A_27] : memref<1xf32, #tpu.memory_space<smem>>
    } else {
    }
    %get3A = arith.constant 0 : index
    %get3A_2 = arith.constant 0 : index
    %get3A_3 = arith.constant 0 : index
    %get3A_4 = vector.load %arg2[%get3A, %get3A_2, %get3A_3] : memref<1x512x4096xf32, #tpu.memory_space<vmem>>, vector<1x512x4096xf32>
    %get3A_5 = vector.shape_cast %get3A_4 : vector<1x512x4096xf32> to vector<512x4096xf32>
    %get3A_6 = arith.constant 0 : index
    %get3A_7 = arith.constant 0 : index
    %get3A_8 = vector.load %arg3[%get3A_6, %get3A_7] : memref<1x4096xf32, #tpu.memory_space<vmem>>, vector<1x4096xf32>
    %mul3A = vector.broadcast %get3A_8 : vector<1x4096xf32> to vector<512x4096xf32>
    %mul3A_9 = arith.mulf %get3A_5, %mul3A : vector<512x4096xf32>
    %reduce_sum3A = arith.constant dense<0.000000e+00> : vector<512xf32>
    %reduce_sum3A_10 = vector.multi_reduction <add>, %mul3A_9, %reduce_sum3A [1] : vector<512x4096xf32> to vector<512xf32>
    %broadcast_in_dim3A = vector.shape_cast %reduce_sum3A_10 : vector<512xf32> to vector<512x1xf32>
    %reduce_max3A = vector.shape_cast %broadcast_in_dim3A : vector<512x1xf32> to vector<1x512x1xf32>
    %reduce_max3A_11 = arith.constant dense<0xFF800000> : vector<1xf32>
    %reduce_max3A_12 = vector.multi_reduction <maximumf>, %reduce_max3A, %reduce_max3A_11 [1, 2] : vector<1x512x1xf32> to vector<1xf32>
    %reduce_max3A_13 = vector.shape_cast %reduce_max3A_12 : vector<1xf32> to vector<1x1x1xf32>
    %reduce_max3A_14 = vector.extract %reduce_max3A_13[0, 0, 0] : f32 from vector<1x1x1xf32>
    %iota3A = tpu.iota {dimensions = array<i32: 0>} : vector<512x1xi32>
    %eq3A_15 = vector.broadcast %reduce_max3A_14 : f32 to vector<512x1xf32>
    %eq3A_16 = arith.cmpf oeq, %broadcast_in_dim3A, %eq3A_15 : vector<512x1xf32>
    %jit3A = arith.constant 512 : i32
    %broadcast_in_dim3A_17 = vector.broadcast %jit3A : i32 to vector<512x1xi32>
    %select_n3A = arith.select %eq3A_16, %iota3A, %broadcast_in_dim3A_17 : vector<512x1xi1>, vector<512x1xi32>
    %reduce_min3A = vector.shape_cast %select_n3A : vector<512x1xi32> to vector<1x512x1xi32>
    %reduce_min3A_18 = arith.constant dense<2147483647> : vector<1xi32>
    %reduce_min3A_19 = vector.multi_reduction <minsi>, %reduce_min3A, %reduce_min3A_18 [1, 2] : vector<1x512x1xi32> to vector<1xi32>
    %reduce_min3A_20 = vector.shape_cast %reduce_min3A_19 : vector<1xi32> to vector<1x1x1xi32>
    %reduce_min3A_21 = vector.extract %reduce_min3A_20[0, 0, 0] : i32 from vector<1x1x1xi32>
    %get3A_22 = arith.constant 0 : index
    %get3A_23 = memref.load %arg6[%get3A_22] : memref<1xf32, #tpu.memory_space<smem>>
    %gt3A = arith.cmpf ogt, %reduce_max3A_14, %get3A_23 : f32
    %convert_element_type3A_24 = arith.extui %gt3A : i1 to i32
    %cond3A_25 = arith.constant 0 : i32
    %cond3A_26 = arith.cmpi ne, %convert_element_type3A_24, %cond3A_25 : i32
    scf.if %cond3A_26 {
      %swap3A = arith.constant 0 : index
      %swap3A_27 = memref.load %arg6[%swap3A] : memref<1xf32, #tpu.memory_space<smem>>
      memref.store %reduce_max3A_14, %arg6[%swap3A] : memref<1xf32, #tpu.memory_space<smem>>
      %swap3A_28 = arith.index_cast %arg0 : i32 to index
      %swap3A_29 = memref.load %arg4[%swap3A_28] : memref<4xf32, #tpu.memory_space<smem>>
      memref.store %reduce_max3A_14, %arg4[%swap3A_28] : memref<4xf32, #tpu.memory_space<smem>>
      %mul3A_30 = arith.constant 512 : i32
      %mul3A_31 = arith.muli %arg1, %mul3A_30 : i32
      %add3A = arith.addi %mul3A_31, %reduce_min3A_21 : i32
      %swap3A_32 = arith.index_cast %arg0 : i32 to index
      %swap3A_33 = memref.load %arg5[%swap3A_32] : memref<4xi32, #tpu.memory_space<smem>>
      memref.store %add3A, %arg5[%swap3A_32] : memref<4xi32, #tpu.memory_space<smem>>
    } else {
    }
    return
  }
  func.func @transform_0(%arg0: i32, %arg1: i32) -> (i32, i32, i32) {
    %c0_i32 = arith.constant 0 : i32
    %c0_i32_0 = arith.constant 0 : i32
    return %arg0, %arg1, %c0_i32 : i32, i32, i32
  }
  func.func @transform_1(%arg0: i32, %arg1: i32) -> (i32, i32) {
    %c0_i32 = arith.constant 0 : i32
    %c0_i32_0 = arith.constant 0 : i32
    %c0_i32_1 = arith.constant 0 : i32
    return %c0_i32, %c0_i32_0 : i32, i32
  }
  func.func @transform_2(%arg0: i32, %arg1: i32) -> i32 {
    %c0_i32 = arith.constant 0 : i32
    %c0_i32_0 = arith.constant 0 : i32
    return %c0_i32 : i32
  }
  func.func @transform_3(%arg0: i32, %arg1: i32) -> i32 {
    %c0_i32 = arith.constant 0 : i32
    %c0_i32_0 = arith.constant 0 : i32
    return %c0_i32 : i32
  }
}

</mosaic_0001>

<sc_bundles>
// kernel: _run.5.cloned.1.call-start
scs
__scs_entry_jumppad:
0x0: {  	(pc) =	sbr.rel $0x88, $3  }
0x1: {  	(tag) =	ssettag $0x0;
	lr =	simm.s32 $0x1  }
0x2: {  	[smem:$0x3F9F] =	sst lr;
	_ =	strace $0xD0000000  }
0x3: {  	_ = 	snop  }
0x4: {  	_ = 	snop  }
0x5: {  	_ = 	snop  }
0x6: {  	_ = 	snop  }
0x7: {  	_ = 	snop  }
__scs_overlays_trampoline_lowered:
0x8: {  	[smem:$0x3FAE] =	sst s0  }
0x9: {  	[smem:$0x3FAF] =	sst s1  }
0xa: {  	[smem:$0x3FB0] =	sst s2  }
0xb: {  	[smem:$0x3FB1] =	sst s3  }
0xc: {  	[smem:$0x3FB2] =	sst s4  }
0xd: {  	[smem:$0x3FB3] =	sst s5  }
0xe: {  	[smem:$0x3FB4] =	sst s6  }
0xf: {  	[smem:$0x3FB5] =	sst s7  }
0x10: {  	[smem:$0x3FB6] =	sst s8  }
0x11: {  	[smem:$0x3FB7] =	sst s9;
	s0 =	simm.s32 @!p0 $0x0  }
0x12: {  	s1 =	sld [smem:$0x3F9D];
	s0 =	simm.s32 @p0 $0x1  }
0x13: {  	[smem:$0x3FB8] =	sst s0;
	s0 =	simm.s32 @!p1 $0x0  }
0x14: {  	s2 =	sld [smem:$0x3F9C];
	s0 =	simm.s32 @p1 $0x1  }
0x15: {  	[smem:$0x3FB9] =	sst s0;
	s0 =	simm.s32 @!p2 $0x0  }
0x16: {  	s3 =	sld [smem:$0x3FDB];
	s0 =	simm.s32 @p2 $0x1  }
0x17: {  	s4 =	simm.s32 $0x1BF5;
	[smem:$0x3FBB] =	sst s0  }
0x18: {  	s0 =	sld [smem:$0x3F9E];
	_ =	swait.ge [sflag:s4], $0x0  }
0x19: {  	s7 =	sld [smem:$0x3F9F]  }
0x1a: {  	s8 =	sadd.s32 $0xFFFFE003, lr  }
0x1b: {  	s9 =	sadd.s32 $0xFFFFFEF7, lr;
	s5 =	simm.s32 $0xFFFFFFFF;
	p2 =	slt.u32 s8, $0xFFFFF086  }
0x1c: {  	p1 =	slt.u32 s9, $0xF7A;
	s5 =	simm.s32 @!p2 $0x0  }
0x1d: {  	s5 =	simm.s32 @p1 $0x1;
	p0 =	seq.s32 s7, s2  }
0x1e: {  	s7 =	smul.u32 @!p0 $0xF7A, s2;
	p2 =	seq.s32 @!p0 s5, $0x0  }
0x1f: {  	s9 =	smul.u32 $0xF7A, s1;
	s8 =	simm.s32 @!p0 $0x1BF5;
	p2 =	por !p2, p0  }
0x20: {  	[sflag:s8] =	ssyncset.s32 @!p0 $0xFFFFF086;
	s6 =	sadd.s32 @!p0 s3, s7;
	s7 =	simm.s32 @!p0 $0x108  }
0x21: {  	s3 =	sadd.s32 s3, s9;
	s6 =	sadd.s32 @!p0 $0x88, s6;
	s7 =	simm.s32 @p2 $0x1082  }
0x22: {  	[simem:s7], [sflag:s8] =	dma.local @!p0 [hbm:s6], $0xF7A  }
0x23: {  	s9 =	sor.u32 $0xD0000000, s2;
	s6 =	simm.s32 $0x108;
	_ =	swait.ge @!p0 [sflag:s8], $0x0  }
0x24: {  	s3 =	sadd.s32 $0x88, s3;
	s6 =	simm.s32 @!p1 $0x1082;
	[sflag:s4] =	ssyncset.s32 $0xFFFFF086  }
0x25: {  	[simem:s6], [sflag:s4] =	dma.local [hbm:s3], $0xF7A  }
0x26: {  	[smem:$0x3F9F] =	sst s1;
	(tag) =	ssettag s2;
	_ =	strace s9  }
0x27: {  	s1 =	sld [smem:$0x3FAF]  }
0x28: {  	s2 =	sld [smem:$0x3FB0]  }
0x29: {  	s4 =	sld [smem:$0x3FB2]  }
0x2a: {  	p0 =	seq.s32 s5, $0x0;
	s5 =	sld [smem:$0x3FB3]  }
0x2b: {  	s6 =	sld [smem:$0x3FB4]  }
0x2c: {  	s7 =	sld [smem:$0x3FB5]  }
0x2d: {  	s3 =	simm.s32 $0x108;
	s8 =	sld [smem:$0x3FB6]  }
0x2e: {  	s3 =	simm.s32 @!p0 $0x1082;
	s9 =	sld [smem:$0x3FB7]  }
0x2f: {  	lr =	sadd.s32 s0, s3;
	s0 =	sld [smem:$0x3FAE]  }
0x30: {  	s3 =	sld [smem:$0x3FB1]  }
0x31: {  	[smem:$0x3FBA] =	sst s10  }
0x32: {  	s10 =	sld [smem:$0x3FB8];
	_ =	sdelay $0x3  }
0x33: {  	p0 =	seq.s32 s10, $0x1;
	s10 =	sld [smem:$0x3FBA];
	_ =	sdelay $0x3  }
0x34: {  	[smem:$0x3FBA] =	sst s10  }
0x35: {  	s10 =	sld [smem:$0x3FB9];
	_ =	sdelay $0x3  }
0x36: {  	p1 =	seq.s32 s10, $0x1;
	s10 =	sld [smem:$0x3FBA];
	_ =	sdelay $0x3  }
0x37: {  	[smem:$0x3FBA] =	sst s10  }
0x38: {  	s10 =	sld [smem:$0x3FBB]  }
0x39: {  	_ = 	snop;
	(pc) =	sbr.ind lr, $3  }
0x3a: {  	_ = 	snop  }
0x3b: {  	_ = 	snop  }
0x3c: {  	p2 =	seq.s32 s10, $0x1;
	s10 =	sld [smem:$0x3FBA]  }
0x3d: {  	_ =	shalt  }
0x3e: {  	_ =	shalt  }
0x3f: {  	_ =	shalt  }
0x40: {  	_ =	shalt  }
0x41: {  	_ =	shalt  }
0x42: {  	_ =	shalt  }
0x43: {  	_ =	shalt  }
0x44: {  	_ =	shalt  }
0x45: {  	_ =	shalt  }
0x46: {  	_ =	shalt  }
0x47: {  	_ =	shalt  }
0x48: {  	_ =	shalt  }
0x49: {  	_ =	shalt  }
0x4a: {  	_ =	shalt  }
0x4b: {  	_ =	shalt  }
0x4c: {  	_ =	shalt  }
0x4d: {  	_ =	shalt  }
0x4e: {  	_ =	shalt  }
0x4f: {  	_ =	shalt  }
0x50: {  	_ =	shalt  }
0x51: {  	_ =	shalt  }
0x52: {  	_ =	shalt  }
0x53: {  	_ =	shalt  }
0x54: {  	_ =	shalt  }
0x55: {  	_ =	shalt  }
0x56: {  	_ =	shalt  }
0x57: {  	_ =	shalt  }
0x58: {  	_ =	shalt  }
0x59: {  	_ =	shalt  }
0x5a: {  	_ =	shalt  }
0x5b: {  	_ =	shalt  }
0x5c: {  	_ =	shalt  }
0x5d: {  	_ =	shalt  }
0x5e: {  	_ =	shalt  }
0x5f: {  	_ =	shalt  }
0x60: {  	_ =	shalt  }
0x61: {  	_ =	shalt  }
0x62: {  	_ =	shalt  }
0x63: {  	_ =	shalt  }
0x64: {  	_ =	shalt  }
0x65: {  	_ =	shalt  }
0x66: {  	_ =	shalt  }
0x67: {  	_ =	shalt  }
0x68: {  	_ =	shalt  }
0x69: {  	_ =	shalt  }
0x6a: {  	_ =	shalt  }
0x6b: {  	_ =	shalt  }
0x6c: {  	_ =	shalt  }
0x6d: {  	_ =	shalt  }
0x6e: {  	_ =	shalt  }
0x6f: {  	_ =	shalt  }
0x70: {  	_ =	shalt  }
0x71: {  	_ =	shalt  }
0x72: {  	_ =	shalt  }
0x73: {  	_ =	shalt  }
0x74: {  	_ =	shalt  }
0x75: {  	_ =	shalt  }
0x76: {  	_ =	shalt  }
0x77: {  	_ =	shalt  }
0x78: {  	_ =	shalt  }
0x79: {  	_ =	shalt  }
0x7a: {  	_ =	shalt  }
0x7b: {  	_ =	shalt  }
0x7c: {  	_ =	shalt  }
0x7d: {  	_ =	shalt  }
0x7e: {  	_ =	shalt  }
0x7f: {  	_ =	shalt  }
0x80: {  	_ =	shalt  }
0x81: {  	_ =	shalt  }
0x82: {  	_ =	shalt  }
0x83: {  	_ =	shalt  }
0x84: {  	_ =	shalt  }
0x85: {  	_ =	shalt  }
0x86: {  	_ =	shalt  }
0x87: {  	_ =	shalt  }
.Lfunc_end0:
.L_simem_size_0:
called_computation_lowered:
.L_overlay_start_0:
0x88: {  	s2 =	sld [smem:$0x3FD9]  }
0x89: {  	s3 =	sld [smem:$0x3FFE];
	_ =	sdelay $0x1  }
0x8a: {  	s1 =	srdreg.scid  }
0x8b: {  	s0 =	sand.u32 $0x1, s1  }
0x8c: {  	s14 =	sshll.u32 s0, $0xA;
	s2 =	sadd.s32 s3, s2  }
0x8d: {  	s2 =	sadd.s32 s2, s14  }
0x8e: {  	[smem:$0x3FC6] =	sst s2  }
0x8f: {  	_ = 	snop  }
0x90: {  	s2 =	sld [smem:$0x3FD0];
	_ =	sdelay $0x1  }
0x91: {  	s15 =	sld [smem:$0x3FC9]  }
0x92: {  	s5 =	simm.s32 $0xA;
	s6 =	simm.s32 $0x10;
	s4 =	sld [smem:$0x3FC8]  }
0x93: {  	[smem:s6], [sflag:s5] =	dma.local [hbm:s2], $0x1  }
0x94: {  	_ =	swait.eq [sflag:s5], $0x1  }
0x95: {  	[sflag:s5] =	ssyncset.done $0x0  }
0x96: {  	[sflag:s5] =	ssyncadd.s32 $0xFFFFFFFF  }
0x97: {  	s16 =	sld [smem:$0x10];
	(tm) =	ssettm $0x1  }
0x98: {  	s17 =	sld [smem:$0x3FFB];
	_ =	sdelay $0x3  }
0x99: {  	_ =	strace s17  }
0x9a: {  	s5 =	sld [smem:$0x3FFC];
	_ =	sdelay $0x3  }
0x9b: {  	_ =	strace s5  }
0x9c: {  	s5 =	sld [smem:$0x3FFD];
	_ =	sdelay $0x3  }
0x9d: {  	_ =	strace s5  }
0x9e: {  	_ =	strace $0x8FFFFFFF  }
0x9f: {  	s18 =	sld [smem:$0x3FDB];
	_ =	sdelay $0x1  }
0xa0: {  	s19 =	simm.s32 $_scs_section_size  }
0xa1: {  	s7 =	simm.s32 $_size__tile_overlayer_lowered;
	s8 =	simm.s32 $_tile_overlayer_lowered  }
0xa2: {  	s22 =	simm.s32 $0x1BFF;
	s21 =	sshll.u32 s8, $0x1;
	s5 =	sadd.s32 s19, s18  }
0xa3: {  	s9 =	simm.s32 $0x0;
	s20 =	sshll.u32 s7, $0x1;
	s7 =	sadd.s32 s21, s5  }
0xa4: {  	[timem:s9], [sflag:s22] =	dma.local [hbm:s7], s20  }
0xa5: {  	_ =	swait.ge [sflag:s22], s20  }
0xa6: {  	s6 =	ssub.s32 $0x0, s20;
	[sflag:s22] =	ssyncset.done $0x0  }
0xa7: {  	[sflag:s22] =	ssyncadd.s32 s6;
	_ =	sdelay $0x1  }
0xa8: {  	s23 =	simm.s32 $0x1B8B  }
0xa9: {  	_ =	swait.ge [sflag:s23], $0x1  }
0xaa: {  	[sflag:s23] =	ssyncset.done $0x0  }
0xab: {  	s25 =	simm.s32 $0x1B8E;
	s24 =	sld [smem:$0x3FFE];
	[sflag:s23] =	ssyncadd.s32 $0xFFFFFFFF  }
0xac: {  	s26 =	simm.s32 $execute0_lowered;
	[smem:$0x3FD2] =	sst s25  }
0xad: {  	s7 =	sshll.u32 s26, $0x1;
	_ =	strace $0x80000046;
	[dreg:$0x1] =	wrdreg $0xFFFFFFFF  }
0xae: {  	s28 =	simm.s32 $_size_execute0_lowered;
	s5 =	sadd.s32 s5, s7;
	[dreg:$0x0] =	wrdreg $0x0  }
0xaf: {  	s7 =	sshll.u32 s28, $0x1;
	[dreg:$0x2] =	wrdreg s5  }
0xb0: {  	[dreg:$0x3] =	wrdreg s7  }
0xb1: {  	[dreg:$0x4] =	wrdreg $0xC0  }
0xb2: {  	_ =	task [dreg:s9], $0x5FFFF  }
0xb3: {  	[dreg:$0x1] =	wrdreg $0xFFFFFFFF  }
0xb4: {  	[dreg:$0x0] =	wrdreg $0x60  }
0xb5: {  	[dreg:$0x2] =	wrdreg s15  }
0xb6: {  	[dreg:$0x3] =	wrdreg s4  }
0xb7: {  	[dreg:$0x4] =	wrdreg s16  }
0xb8: {  	[dreg:$0x5] =	wrdreg s24  }
0xb9: {  	[dreg:$0x6] =	wrdreg $0x9  }
0xba: {  	_ =	task.clear_ibuf [dreg:s9], $0x7FFFF;
	_ =	strace $0x90000046  }
0xbb: {  	s29 =	simm.s32 $0x9;
	_ =	strace $0x80000048  }
0xbc: {  	_ =	swait.ge [sflag:s29], $0x1  }
0xbd: {  	[sflag:s29] =	ssyncadd.s32 $0xFFFFFFFF  }
0xbe: {  	_ =	strace $0x90000048  }
0xbf: {  	_ =	sfence  }
0xc0: {  	s30 =	sld [smem:$0x0];
	_ =	sdelay $0x2  }
0xc1: {  	s31 =	sshll.u32 s1, $0xD;
	s1 =	sshrl.u32 s1, $0x2  }
0xc2: {  	s3 =	sand.u32 $0x4000, s31;
	s1 =	sadd.s32 s1, s30  }
0xc3: {  	s0 =	sor.u32 s3, s0;
	s1 =	sshll.u32 s1, $0x11  }
0xc4: {  	s0 =	sor.u32 s1, s0  }
0xc5: {  	s0 =	sadd.s32 $0x8F2B, s0  }
0xc6: {  	[sflag:s0] =	ssyncadd.remote.s32 $0x1  }
0xc7: {  	_ =	sfence.sel $0xFFFF  }
0xc8: {  	[dreg:$0x0] =	wrdreg $0xFFFFFFFF;
	(pc) =	sbr.abs _section_cstart, $3  }
0xc9: {  	[dreg:$0x1] =	wrdreg $0xFFFFFFFF  }
0xca: {  	_ =	task.clear_ibuf [dreg:s9], $0x2FFFF;
	_ =	strace $0x9FFFFFFF  }
0xcb: {  	(tm) =	ssettm $0x7FFFFFFF  }
tec
execute0_lowered:
.L_overlay_start_1:
0x0: {  	(tag) =	ssettag $0x1  }
0x1: {  	s1 =	rddreg [dreg:$0x0]  }
0x2: {  	s0 =	srdreg.scid;
	s10 =	rddreg [dreg:$0x2]  }
0x3: {  	s2 =	stileid.u32;
	s6 =	rddreg [dreg:$0x3]  }
0x4: {  	s13 =	simm.s32 $0x3;
	s15 =	simm.s32 $0x9000;
	s16 =	simm.s32 $0x1  }
0x5: {  	s17 =	simm.s32 $0x2;
	s0 =	sand.u32 $0x1, s0;
	s3 =	sshll.u32 s2, $0x1  }
0x6: {  	s19 =	simm.s32 $0x11080;
	s5 =	sshll.u32 s2, $0xB;
	s3 =	sor.u32 s0, s3  }
0x7: {  	s20 =	simm.s32 $0x0;
	s5 =	sand.u32 $0x6000, s5;
	s4 =	sand.u32 $0x7, s3  }
0x8: {  	s0 =	ssub.s32 $0x2, s0;
	s3 =	sshll.u32 s3, $0x4;
	s7 =	smul.u32 $0x180, s4  }
0x9: {  	s31 =	sshrl.u32 s0, $0x1;
	s4 =	simm.s32 $0x0;
	s11 =	sadd.s32 s3, s6  }
.Ltmp0:
0xa: {  	s0 =	ssub.s32 s0, s31;
	s5 =	sor.u32 s5, s7;
	(pc) =	sbr.rel .LBB2_1-.Ltmp0, $4  }
0xb: {  	s10 =	sadd.s32 s10, s3;
	[smem:$0x7FF] =	sst s4;
	s5 =	sadd.s32 $0x1400, s5  }
0xc: {  	s11 =	sadd.s32 $0x1200, s11;
	s12 =	smax.u32 s0, $0x1;
	s30 =	sshll.u32 s5, $0x9  }
0xd: {  	_ =	strace $0x80000047;
	s9 =	sshrl.u32 s5, $0x3;
	s6 =	sadd.s32 s1, s30  }
0xe: {  	s8 =	sor.u32 $0x2, s9;
	s9 =	sor.u32 $0x3, s9;
	s7 =	sadd.s32 $0x1000, s6  }
.LBB2_8:
0xf: {  	v0 =	vmov s22  }
0x10: {  	v63 =	vmov s21;
	[tilespmem:$0x11000] =	vst v0  }
0x11: {  	s0 =	simm.s32 $0x11000;
	[tilespmem:$0x11080] =	vst v63  }
0x12: {  	[hbm4b:s10+s4] =	stream.linear.scatter [tilespmem:s0], [sflag:$0x3], $0x80, $0x38;
	[tilespmem:$0x11100] =	vst v63  }
0x13: {  	s20 =	sadd.s32 $0x1, s20;
	_ =	swait.ge [sflag:s13], $0x80  }
0x14: {  	p0 =	sne.s32 s20, s12;
	[sflag:s13] =	ssyncset.done $0x0  }
.Ltmp1:
0x15: {  	[sflag:s13] =	ssyncadd.s32 $0xFFFFFF80;
	(pc) =	sbr.rel @!p0 .LBB2_9-.Ltmp1, $4  }
0x16: {  	[hbm4b:s11+s4] =	stream.linear.scatter [tilespmem:s19], [sflag:$0x3], $0x80, $0x38;
	[tilespmem:$0x11100] =	vst v63  }
0x17: {  	_ =	swait.ge [sflag:s13], $0x80  }
0x18: {  	[sflag:s13] =	ssyncset.done $0x0  }
0x19: {  	[sflag:s13] =	ssyncadd.s32 $0xFFFFFF80  }
.LBB2_1:
0x1a: {  	s0 =	rddreg [dreg:$0x1]  }
0x1b: {  	[tilespmem:s4], [sflag:$0x3] =	stream.linear.gather [hbm4b:s0+s4], $0x1000, $0x38;
	[tilespmem:$0x11100] =	vst v63  }
0x1c: {  	_ =	swait.ge [sflag:s13], $0x1000  }
0x1d: {  	[sflag:s13] =	ssyncset.done $0x0  }
0x1e: {  	s31 =	simm.s32 $0x1000;
	[sflag:s13] =	ssyncadd.s32 $0xFFFFF000  }
0x1f: {  	[tilespmem:s31], [sflag:$0x1] =	stream.linear.gather [hbm4b:s6+s4], $0x8000, $0x38;
	[tilespmem:$0x11100] =	vst v63  }
0x20: {  	s22 =	simm.f32 $-Inf;
	s21 =	simm.s32 $0x0;
	s23 =	simm.s32 $0x0  }
0x21: {  	[tilespmem:s15], [sflag:$0x2] =	stream.linear.gather [hbm4b:s7+s4], $0x8000, $0x38;
	[tilespmem:$0x11100] =	vst v63  }
.LBB2_2:
0x22: {  	_ =	swait.ge [sflag:s16], $0x8000;
	s24 =	simm.s32 $0x0  }
0x23: {  	[sflag:s16] =	ssyncset.done $0x0;
	s0 =	sand.u32 $0x60, s24;
	s3 =	sand.u32 $0x7C00, s24  }
0x24: {  	s26 =	sand.u32 $0xF80, s24;
	[sflag:s16] =	ssyncadd.s32 $0xFFFF8000;
	s25 =	sor.u32 $0x10, s0  }
0x25: {  	s3 =	sadd.s32 $0x1000, s3;
	v1 =	vld [tilespmem:s24+$0x0];
	s26 =	sor.u32 s25, s26  }
0x26: {  	s25 =	sor.u32 s25, s3;
	v0 =	vld [tilespmem:s26+$0x0]  }
0x27: {  	v2 =	vld [tilespmem:s25+$0x0]  }
0x28: {  	v3 =	vld [tilespmem:s25+$0x80]  }
0x29: {  	v4 =	vld [tilespmem:s25+$0x100]  }
0x2a: {  	v5 =	vld [tilespmem:s25+$0x180]  }
0x2b: {  	v6 =	vld [tilespmem:s25+$0x200]  }
0x2c: {  	s0 =	sor.u32 s0, s3;
	v8 =	vld [tilespmem:s25+$0x280]  }
0x2d: {  	v10 =	vld [tilespmem:s0+$0x0]  }
0x2e: {  	v11 =	vld [tilespmem:s0+$0x80];
	_ =	sdelay $0x1  }
0x2f: {  	s26 =	sand.u32 $0x3, s24;
	v19 =	vld [tilespmem:s0+$0x100];
	v14 =	vmul.f32 v2, v0;
	v13 =	vmul.f32 v3, v0  }
0x30: {  	v21 =	vld [tilespmem:s0+$0x180];
	s3 =	sshll.u32 s26, $0x5;
	v15 =	vmul.f32 v4, v0;
	v12 =	vmul.f32 v5, v0  }
0x31: {  	v7 =	vimm.f32 $0.0e+00;
	v18 =	vld [tilespmem:s0+$0x200];
	s30 =	sadd.s32 $0x0, s3;
	v9 =	vmul.f32 v6, v0;
	v6 =	vmul.f32 v8, v0  }
0x32: {  	s28 =	simm.s32 $0x20;
	v16 =	vld [tilespmem:s0+$0x280];
	s31 =	sor.u32 $0x300, s30;
	v23 =	vmul.f32 v10, v1;
	v22 =	vmul.f32 v11, v1;
	v11 =	vimm.f32 $0.0e+00  }
0x33: {  	s29 =	simm.s32 $0x0;
	s3 =	sadd.s32 $0x10, s30;
	s26 =	sor.u32 $0x380, s30;
	v17 =	vld [tilespmem:s31+$0x1000];
	v10 =	vimm.f32 $0.0e+00;
	v8 =	vimm.f32 $0.0e+00;
	v5 =	vimm.f32 $0.0e+00  }
0x34: {  	s25 =	simm.s32 $0x0;
	s0 =	sor.u32 $0x300, s3;
	v20 =	vld [tilespmem:s26+$0x1000];
	s26 =	simm.s32 $0x100;
	v4 =	vimm.f32 $0.0e+00;
	v3 =	vimm.f32 $0.0e+00;
	v2 =	vimm.f32 $0.0e+00  }
.LBB2_3:
0x35: {  	s30 =	sand.u32 $0x60, s28;
	v19 =	vmul.f32 v19, v1;
	v21 =	vmul.f32 v21, v1;
	v24 =	vld [tilespmem:s0+$0x1000];
	s0 =	sor.u32 $0x380, s3;
	s24 =	sadd.s32 $0x20, s24  }
0x36: {  	s3 =	sand.u32 $0x7C00, s26;
	s2 =	sand.u32 $0xF80, s28;
	s31 =	sor.u32 $0x10, s30;
	v7 =	vadd.f32 v23, v7;
	v11 =	vadd.f32 v22, v11;
	v18 =	vmul.f32 v18, v1;
	v22 =	vld [tilespmem:s0+$0x1000]  }
0x37: {  	s0 =	sadd.s32 $0x1000, s3;
	v23 =	vld [tilespmem:s24+$0x0];
	s2 =	sor.u32 s31, s2;
	v10 =	vadd.f32 v19, v10;
	v8 =	vadd.f32 v21, v8;
	v16 =	vmul.f32 v16, v1  }
0x38: {  	v19 =	vld [tilespmem:s2+$0x0];
	s2 =	sor.u32 s31, s0;
	v17 =	vmul.f32 v17, v1;
	v7 =	vadd.f32 v14, v7;
	v11 =	vadd.f32 v13, v11  }
0x39: {  	v13 =	vld [tilespmem:s2+$0x0];
	v20 =	vmul.f32 v20, v1;
	v10 =	vadd.f32 v15, v10;
	v8 =	vadd.f32 v12, v8  }
0x3a: {  	v5 =	vadd.f32 v18, v5;
	v4 =	vadd.f32 v16, v4;
	v12 =	vld [tilespmem:s2+$0x80];
	v14 =	vmul.f32 v24, v0  }
0x3b: {  	v3 =	vadd.f32 v17, v3;
	v15 =	vld [tilespmem:s2+$0x100];
	v2 =	vadd.f32 v20, v2;
	v16 =	vmul.f32 v22, v0  }
0x3c: {  	v5 =	vadd.f32 v9, v5;
	v4 =	vadd.f32 v6, v4;
	v17 =	vld [tilespmem:s2+$0x180];
	v1 =	vmov v23  }
0x3d: {  	v3 =	vadd.f32 v14, v3;
	v6 =	vld [tilespmem:s2+$0x200];
	v2 =	vadd.f32 v16, v2;
	v0 =	vmov v19  }
0x3e: {  	s0 =	sor.u32 s30, s0;
	v20 =	vld [tilespmem:s2+$0x280]  }
0x3f: {  	v22 =	vld [tilespmem:s0+$0x0]  }
0x40: {  	s29 =	sadd.s32 $0x1, s29;
	s25 =	sadd.s32 $0x2, s25;
	v24 =	vld [tilespmem:s0+$0x80]  }
0x41: {  	p0 =	slt.u32 s25, $0xFE;
	s2 =	sand.u32 $0x3, s29;
	v19 =	vld [tilespmem:s0+$0x100]  }
.Ltmp2:
0x42: {  	s2 =	sshll.u32 s2, $0x5;
	v21 =	vld [tilespmem:s0+$0x180];
	(pc) =	sbr.rel @p0 .LBB2_3-.Ltmp2, $4  }
0x43: {  	v14 =	vmul.f32 v13, v0;
	v13 =	vmul.f32 v12, v0;
	s2 =	sadd.s32 s2, s26;
	v18 =	vld [tilespmem:s0+$0x200]  }
0x44: {  	v15 =	vmul.f32 v15, v0;
	v12 =	vmul.f32 v17, v0;
	v16 =	vld [tilespmem:s0+$0x280];
	s0 =	sor.u32 $0x300, s2  }
0x45: {  	s3 =	sadd.s32 $0x10, s2;
	v9 =	vmul.f32 v6, v0;
	v6 =	vmul.f32 v20, v0;
	v17 =	vld [tilespmem:s0+$0x1000];
	s0 =	sor.u32 $0x380, s2  }
0x46: {  	s28 =	sadd.s32 $0x20, s28;
	s26 =	sadd.s32 $0x100, s26;
	v23 =	vmul.f32 v22, v1;
	v22 =	vmul.f32 v24, v1;
	v20 =	vld [tilespmem:s0+$0x1000];
	s0 =	sor.u32 $0x300, s3  }
0x47: {  	_ = 	snop  }
0x48: {  	v7 =	vadd.f32 v23, v7  }
0x49: {  	v19 =	vmul.f32 v19, v1  }
0x4a: {  	v21 =	vmul.f32 v21, v1;
	s14 =	sor.u32 $0x380, s3;
	v11 =	vadd.f32 v22, v11;
	v22 =	vld [tilespmem:s0+$0x1000];
	v7 =	vadd.f32 v14, v7  }
0x4b: {  	v18 =	vmul.f32 v18, v1;
	v10 =	vadd.f32 v19, v10;
	v14 =	vld [tilespmem:s14+$0x1000]  }
0x4c: {  	v8 =	vadd.f32 v21, v8;
	v11 =	vadd.f32 v13, v11;
	v13 =	vmul.f32 v16, v1;
	(xrf2) =	vadd.scan.msk.f32 $0xffff, v7  }
0x4d: {  	v5 =	vadd.f32 v18, v5;
	v10 =	vadd.f32 v15, v10;
	v7 =	vmul.f32 v17, v1  }
0x4e: {  	v8 =	vadd.f32 v12, v8;
	v1 =	vmul.f32 v20, v1;
	v4 =	vadd.f32 v13, v4;
	(xrf2) =	vadd.scan.msk.f32 $0xffff, v11  }
0x4f: {  	v5 =	vadd.f32 v9, v5;
	v9 =	vmul.f32 v22, v0;
	(xrf2) =	vadd.scan.msk.f32 $0xffff, v10;
	v3 =	vadd.f32 v7, v3  }
0x50: {  	v1 =	vadd.f32 v1, v2;
	v2 =	vadd.f32 v6, v4;
	(xrf2) =	vadd.scan.msk.f32 $0xffff, v8;
	v0 =	vmul.f32 v14, v0  }
0x51: {  	(xrf2) =	vadd.scan.msk.f32 $0xffff, v5;
	v3 =	vadd.f32 v9, v3  }
0x52: {  	v0 =	vadd.f32 v0, v1;
	(xrf2) =	vadd.scan.msk.f32 $0xffff, v2  }
0x53: {  	(xrf2) =	vadd.scan.msk.f32 $0xffff, v3  }
0x54: {  	(xrf2) =	vadd.scan.msk.f32 $0xffff, v0;
	_ =	sdelay $0x1  }
0x55: {  	v0, _, _ =	vpop (xrf2)  }
0x56: {  	(v2sf) =	vpush v0, $0xF  }
0x57: {  	v1, _, _ =	vpop (xrf2)  }
0x58: {  	v0, _, _ =	vpop (xrf2);
	(v2sf) =	vpush v1, $0xF  }
0x59: {  	v1, _, _ =	vpop (xrf2);
	(v2sf) =	vpush v0, $0xF  }
0x5a: {  	v0, _, _ =	vpop (xrf2);
	(v2sf) =	vpush v1, $0xF  }
0x5b: {  	(v2sf) =	vpush v0, $0xF;
	v0, _, _ =	vpop (xrf2)  }
0x5c: {  	v1, _, _ =	vpop (xrf2);
	(v2sf) =	vpush v0, $0xF  }
0x5d: {  	(v2sf) =	vpush v1, $0xF;
	v0, _, _ =	vpop (xrf2)  }
0x5e: {  	(v2sf) =	vpush v0, $0xF;
	_ =	sdelay $0x6  }
0x5f: {  	s0 =	spop (v2sf)  }
0x60: {  	p1 =	sgt.f32 s0, s22  }
0x61: {  	s2 =	spop (v2sf)  }
0x62: {  	s24 =	sshll.u32 s23, $0x1;
	s3 =	spop (v2sf);
	s22 =	smov.u32 @p1 s0  }
0x63: {  	p0 =	seq.s32 s23, $0x17;
	s25 =	spop (v2sf);
	p2 =	sgt.f32 s2, s22  }
0x64: {  	s26 =	sadd.s32 @!p0 s24, s8;
	s31 =	simm.s32 @!p0 $0x1000;
	s29 =	spop (v2sf)  }
0x65: {  	s0 =	spop (v2sf);
	s22 =	smov.u32 @p2 s2;
	s2 =	sshll.u32 @!p0 s26, $0xC  }
0x66: {  	s30 =	spop (v2sf);
	s26 =	simm.s32 @!p0 $0x0;
	s2 =	sand.u32 @!p0 $0x1FFFE000, s2  }
0x67: {  	p3 =	sgt.f32 s3, s22;
	s28 =	spop (v2sf);
	s2 =	sadd.s32 @!p0 s1, s2  }
0x68: {  	[tilespmem:s31], [sflag:$0x1] =	stream.linear.gather @!p0 [hbm4b:s2+s26], $0x8000, $0x38;
	[tilespmem:$0x11100] =	vst v63  }
0x69: {  	s22 =	smov.u32 @p3 s3;
	s26 =	simm.s32 $0x0;
	_ =	swait.ge [sflag:s17], $0x8000  }
0x6a: {  	p4 =	sgt.f32 s25, s22;
	s2 =	sand.u32 $0x60, s26;
	s18 =	sand.u32 $0x7C00, s26  }
0x6b: {  	s14 =	sand.u32 $0xF80, s26;
	[sflag:s17] =	ssyncset.done $0x0;
	s31 =	sor.u32 $0x10, s2  }
0x6c: {  	s3 =	sadd.s32 $0x9000, s18;
	[sflag:s17] =	ssyncadd.s32 $0xFFFF8000;
	s14 =	sor.u32 s31, s14  }
0x6d: {  	s18 =	sor.u32 s31, s3;
	v0 =	vld [tilespmem:s14+$0x0]  }
0x6e: {  	s22 =	smov.u32 @p4 s25;
	v2 =	vld [tilespmem:s18+$0x0]  }
0x6f: {  	p5 =	sgt.f32 s29, s22;
	v3 =	vld [tilespmem:s18+$0x80]  }
0x70: {  	s25 =	sshll.u32 s23, $0x4;
	v4 =	vld [tilespmem:s18+$0x100]  }
0x71: {  	s31 =	sadd.s32 s5, s25;
	v5 =	vld [tilespmem:s18+$0x180];
	s22 =	smov.u32 @p5 s29  }
0x72: {  	v7 =	vld [tilespmem:s18+$0x200];
	s21 =	smov.u32 @p1 s31;
	s29 =	sor.u32 $0x1, s31;
	p1 =	sgt.f32 s0, s22  }
0x73: {  	v8 =	vld [tilespmem:s18+$0x280];
	s18 =	sand.u32 $0x3, s26;
	s21 =	smov.u32 @p2 s29;
	s29 =	sor.u32 $0x2, s31  }
0x74: {  	v1 =	vld [tilespmem:s26+$0x0];
	s21 =	smov.u32 @p3 s29;
	s22 =	smov.u32 @p1 s0;
	s0 =	sor.u32 s2, s3  }
0x75: {  	s29 =	simm.s32 $0x100;
	s2 =	sor.u32 $0x3, s31;
	s3 =	sshll.u32 s18, $0x5;
	v9 =	vld [tilespmem:s0+$0x0]  }
0x76: {  	s21 =	smov.u32 @p4 s2;
	s2 =	sor.u32 $0x4, s31;
	p2 =	sgt.f32 s30, s22;
	v11 =	vld [tilespmem:s0+$0x80]  }
0x77: {  	v15 =	vmul.f32 v2, v0;
	v13 =	vmul.f32 v3, v0;
	v19 =	vld [tilespmem:s0+$0x100];
	s14 =	sadd.s32 $0x0, s3;
	s21 =	smov.u32 @p5 s2;
	s2 =	sor.u32 $0x5, s31  }
0x78: {  	v14 =	vmul.f32 v4, v0;
	v12 =	vmul.f32 v5, v0;
	v21 =	vld [tilespmem:s0+$0x180];
	s18 =	sor.u32 $0x300, s14;
	s3 =	sadd.s32 $0x10, s14;
	s22 =	smov.u32 @p2 s30  }
0x79: {  	v6 =	vimm.f32 $0.0e+00;
	v10 =	vmul.f32 v7, v0;
	v7 =	vmul.f32 v8, v0;
	v20 =	vld [tilespmem:s0+$0x200];
	s21 =	smov.u32 @p1 s2;
	s2 =	sor.u32 $0x6, s31;
	p1 =	sgt.f32 s28, s22  }
0x7a: {  	v8 =	vimm.f32 $0.0e+00;
	v5 =	vimm.f32 $0.0e+00;
	v4 =	vimm.f32 $0.0e+00;
	v16 =	vld [tilespmem:s0+$0x280];
	s0 =	sor.u32 $0x300, s3;
	s21 =	smov.u32 @p2 s2;
	s2 =	sor.u32 $0x7, s31  }
0x7b: {  	v3 =	vimm.f32 $0.0e+00;
	v2 =	vimm.f32 $0.0e+00;
	v17 =	vld [tilespmem:s18+$0x9000];
	s30 =	simm.s32 $0x20;
	s21 =	smov.u32 @p1 s2;
	v23 =	vmul.f32 v9, v1;
	s2 =	sor.u32 $0x380, s14  }
0x7c: {  	s31 =	simm.s32 $0x0;
	s22 =	smov.u32 @p1 s28;
	v22 =	vmul.f32 v11, v1;
	v11 =	vimm.f32 $0.0e+00;
	s28 =	simm.s32 $0x0;
	v9 =	vimm.f32 $0.0e+00;
	v18 =	vld [tilespmem:s2+$0x9000]  }
.LBB2_5:
0x7d: {  	s2 =	sand.u32 $0x60, s30;
	v19 =	vmul.f32 v19, v1;
	v21 =	vmul.f32 v21, v1;
	v24 =	vld [tilespmem:s0+$0x9000];
	s0 =	sor.u32 $0x380, s3;
	s26 =	sadd.s32 $0x20, s26  }
0x7e: {  	s3 =	sand.u32 $0x7C00, s29;
	s18 =	sand.u32 $0xF80, s30;
	s14 =	sor.u32 $0x10, s2;
	v6 =	vadd.f32 v23, v6;
	v11 =	vadd.f32 v22, v11;
	v20 =	vmul.f32 v20, v1;
	v22 =	vld [tilespmem:s0+$0x9000]  }
0x7f: {  	s0 =	sadd.s32 $0x9000, s3;
	v23 =	vld [tilespmem:s26+$0x0];
	s3 =	sor.u32 s14, s18;
	v9 =	vadd.f32 v19, v9;
	v8 =	vadd.f32 v21, v8;
	v16 =	vmul.f32 v16, v1  }
0x80: {  	v19 =	vld [tilespmem:s3+$0x0];
	s3 =	sor.u32 s14, s0;
	v17 =	vmul.f32 v17, v1;
	v6 =	vadd.f32 v15, v6;
	v11 =	vadd.f32 v13, v11  }
0x81: {  	v13 =	vld [tilespmem:s3+$0x0];
	v15 =	vmul.f32 v18, v1;
	v9 =	vadd.f32 v14, v9;
	v8 =	vadd.f32 v12, v8  }
0x82: {  	v5 =	vadd.f32 v20, v5;
	v4 =	vadd.f32 v16, v4;
	v12 =	vld [tilespmem:s3+$0x80];
	v14 =	vmul.f32 v24, v0  }
0x83: {  	v3 =	vadd.f32 v17, v3;
	v18 =	vld [tilespmem:s3+$0x100];
	v2 =	vadd.f32 v15, v2;
	v15 =	vmul.f32 v22, v0  }
0x84: {  	v5 =	vadd.f32 v10, v5;
	v4 =	vadd.f32 v7, v4;
	v17 =	vld [tilespmem:s3+$0x180];
	v1 =	vmov v23  }
0x85: {  	v3 =	vadd.f32 v14, v3;
	v7 =	vld [tilespmem:s3+$0x200];
	v2 =	vadd.f32 v15, v2;
	v0 =	vmov v19  }
0x86: {  	s0 =	sor.u32 s2, s0;
	v22 =	vld [tilespmem:s3+$0x280]  }
0x87: {  	v23 =	vld [tilespmem:s0+$0x0]  }
0x88: {  	s31 =	sadd.s32 $0x1, s31;
	s28 =	sadd.s32 $0x2, s28;
	v24 =	vld [tilespmem:s0+$0x80]  }
0x89: {  	p1 =	slt.u32 s28, $0xFE;
	s2 =	sand.u32 $0x3, s31;
	v19 =	vld [tilespmem:s0+$0x100]  }
.Ltmp3:
0x8a: {  	s2 =	sshll.u32 s2, $0x5;
	v21 =	vld [tilespmem:s0+$0x180];
	(pc) =	sbr.rel @p1 .LBB2_5-.Ltmp3, $4  }
0x8b: {  	s2 =	sadd.s32 s2, s29;
	v15 =	vmul.f32 v13, v0;
	v13 =	vmul.f32 v12, v0;
	v20 =	vld [tilespmem:s0+$0x200]  }
0x8c: {  	v14 =	vmul.f32 v18, v0;
	v12 =	vmul.f32 v17, v0;
	v16 =	vld [tilespmem:s0+$0x280];
	s0 =	sor.u32 $0x300, s2  }
0x8d: {  	s3 =	sadd.s32 $0x10, s2;
	v10 =	vmul.f32 v7, v0;
	v7 =	vmul.f32 v22, v0;
	v17 =	vld [tilespmem:s0+$0x9000];
	s0 =	sor.u32 $0x380, s2  }
0x8e: {  	s30 =	sadd.s32 $0x20, s30;
	s29 =	sadd.s32 $0x100, s29;
	v23 =	vmul.f32 v23, v1;
	v22 =	vmul.f32 v24, v1;
	v18 =	vld [tilespmem:s0+$0x9000];
	s0 =	sor.u32 $0x300, s3  }
0x8f: {  	_ = 	snop  }
0x90: {  	v6 =	vadd.f32 v23, v6;
	_ =	sdelay $0x1  }
0x91: {  	v6 =	vadd.f32 v15, v6  }
0x92: {  	v11 =	vadd.f32 v22, v11  }
0x93: {  	v43 =	vmul.f32 v19, v1;
	(xrf2) =	vadd.scan.msk.f32 $0xffff, v6  }
0x94: {  	v44 =	vadd.f32 v13, v11  }
0x95: {  	v9 =	vadd.f32 v43, v9  }
0x96: {  	v45 =	vmul.f32 v21, v1;
	(xrf2) =	vadd.scan.msk.f32 $0xffff, v44  }
0x97: {  	v46 =	vadd.f32 v14, v9  }
0x98: {  	v8 =	vadd.f32 v45, v8  }
0x99: {  	v47 =	vmul.f32 v20, v1;
	(xrf2) =	vadd.scan.msk.f32 $0xffff, v46  }
0x9a: {  	v48 =	vadd.f32 v12, v8  }
0x9b: {  	v5 =	vadd.f32 v47, v5  }
0x9c: {  	v49 =	vld [tilespmem:s0+$0x9000];
	v50 =	vmul.f32 v16, v1;
	(xrf2) =	vadd.scan.msk.f32 $0xffff, v48  }
0x9d: {  	v5 =	vadd.f32 v10, v5;
	v51, _, _ =	vpop (xrf2)  }
0x9e: {  	s30 =	sor.u32 $0x380, s3;
	v4 =	vadd.f32 v50, v4;
	(v2sf) =	vpush v51, $0xF  }
0x9f: {  	v52 =	vld [tilespmem:s30+$0x9000];
	v53 =	vmul.f32 v17, v1;
	(xrf2) =	vadd.scan.msk.f32 $0xffff, v5  }
0xa0: {  	v4 =	vadd.f32 v7, v4;
	v54, _, _ =	vpop (xrf2)  }
0xa1: {  	v55 =	vmul.f32 v49, v0;
	v3 =	vadd.f32 v53, v3;
	(v2sf) =	vpush v54, $0xF  }
0xa2: {  	v56 =	vmul.f32 v18, v1;
	(xrf2) =	vadd.scan.msk.f32 $0xffff, v4  }
0xa3: {  	v3 =	vadd.f32 v55, v3;
	v57, _, _ =	vpop (xrf2)  }
0xa4: {  	v1 =	vadd.f32 v56, v2;
	v58 =	vmul.f32 v52, v0;
	(v2sf) =	vpush v57, $0xF  }
0xa5: {  	(xrf2) =	vadd.scan.msk.f32 $0xffff, v3  }
0xa6: {  	v0 =	vadd.f32 v58, v1;
	v59, _, _ =	vpop (xrf2)  }
0xa7: {  	(v2sf) =	vpush v59, $0xF  }
0xa8: {  	(xrf2) =	vadd.scan.msk.f32 $0xffff, v0  }
0xa9: {  	v60, _, _ =	vpop (xrf2)  }
0xaa: {  	(v2sf) =	vpush v60, $0xF;
	_ =	sdelay $0x1  }
0xab: {  	v61, _, _ =	vpop (xrf2)  }
0xac: {  	s0 =	spop (v2sf);
	(v2sf) =	vpush v61, $0xF  }
0xad: {  	p1 =	sgt.f32 s0, s22  }
0xae: {  	v62, _, _ =	vpop (xrf2)  }
0xaf: {  	s22 =	smov.u32 @p1 s0;
	s0 =	spop (v2sf);
	(v2sf) =	vpush v62, $0xF  }
0xb0: {  	p2 =	sgt.f32 s0, s22  }
0xb1: {  	v63, _, _ =	vpop (xrf2)  }
0xb2: {  	s22 =	smov.u32 @p2 s0;
	s0 =	spop (v2sf);
	(v2sf) =	vpush v63, $0xF  }
0xb3: {  	p4 =	sgt.f32 s0, s22;
	_ =	sdelay $0x1  }
0xb4: {  	s2 =	spop (v2sf);
	s22 =	smov.u32 @p4 s0  }
0xb5: {  	p3 =	sgt.f32 s2, s22;
	_ =	sdelay $0x1  }
0xb6: {  	s31 =	sadd.s32 s25, s5;
	s0 =	spop (v2sf);
	s22 =	smov.u32 @p3 s2  }
0xb7: {  	s2 =	sadd.s32 $0x8, s31;
	p5 =	sgt.f32 s0, s22  }
0xb8: {  	s21 =	smov.u32 @p1 s2  }
0xb9: {  	s2 =	spop (v2sf);
	s22 =	smov.u32 @p5 s0;
	s0 =	sadd.s32 $0x9, s31  }
0xba: {  	s21 =	smov.u32 @p2 s0;
	s0 =	sadd.s32 $0xA, s31;
	p1 =	sgt.f32 s2, s22  }
0xbb: {  	s21 =	smov.u32 @p4 s0  }
0xbc: {  	s0 =	spop (v2sf);
	s22 =	smov.u32 @p1 s2;
	s2 =	sadd.s32 $0xB, s31  }
0xbd: {  	s21 =	smov.u32 @p3 s2;
	s2 =	sadd.s32 $0xC, s31;
	p2 =	sgt.f32 s0, s22  }
.Ltmp4:
0xbe: {  	s21 =	smov.u32 @p5 s2;
	(pc) =	sbr.rel @p0 .LBB2_8-.Ltmp4, $4  }
0xbf: {  	s2 =	sadd.s32 $0xD, s31;
	s22 =	smov.u32 @p2 s0;
	s0 =	spop (v2sf)  }
0xc0: {  	s21 =	smov.u32 @p1 s2;
	s2 =	sadd.s32 $0xE, s31;
	p1 =	sgt.f32 s0, s22  }
0xc1: {  	s21 =	smov.u32 @p2 s2;
	s2 =	sadd.s32 $0xF, s31  }
0xc2: {  	s21 =	smov.u32 @p1 s2;
	s22 =	smov.u32 @p1 s0  }
.Ltmp5:
0xc3: {  	(pc) =	sbr.rel .LBB2_2-.Ltmp5, $4  }
0xc4: {  	s0 =	sadd.s32 s24, s9  }
0xc5: {  	s0 =	sshll.u32 s0, $0xC  }
0xc6: {  	s23 =	sadd.s32 $0x1, s23;
	s0 =	sadd.s32 s1, s0  }
0xc7: {  	[tilespmem:s15], [sflag:$0x2] =	stream.linear.gather [hbm4b:s0+s4], $0x8000, $0x38;
	[tilespmem:$0x11100] =	vst v63  }
.LBB2_9:
0xc8: {  	_ =	sfence.sel $0x180000  }
0xc9: {  	[bflag:$0x0] =	sbarrier.arrive $0xFFFF  }
0xca: {  	_ =	strace $0x90000047  }
0xcb: {  	s0 =	stileid.u32;
	[bflag:$0x2] =	sbarrier.arrive $0xFFFF  }
0xcc: {  	p0 =	sne.s32 s0, $0x0;
	s0 =	rddreg [dreg:$0x4]  }
0xcd: {  	s0 =	sadd.s32 @!p0 $0x100000, s0  }
0xce: {  	[sflag:s0] =	ssyncadd.tile.s32 @!p0 $0x1;
	_ =	shalt  }
.Lfunc_end2:
_tile_overlayer_lowered:
.L_overlay_start_2:
0xcf: {  	(tag) =	ssettag $0x2  }
0xd0: {  	s0 =	rddreg [dreg:$0x0];
	s2 =	stileid.u32  }
0xd1: {  	s1 =	rddreg [dreg:$0x1];
	p0 =	sne.s32 s2, $0x0  }
0xd2: {  	s3 =	rddreg [dreg:$0x2];
	[bflag:$0x3] =	sbarrier.arrive $0xFFFF;
	s2 =	simm.s32 @!p0 $0x1C03  }
0xd3: {  	[timem:s3], [sflag:s2] =	dma.local @!p0 [hbm:s0], s1  }
0xd4: {  	s0 =	simm.s32 @!p0 $0x3  }
0xd5: {  	_ =	swait.ge @!p0 [sflag:s0], s1  }
0xd6: {  	s1 =	ssub.s32 @!p0 $0x0, s1;
	[sflag:s0] =	ssyncset.done @!p0 $0x0  }
0xd7: {  	[sflag:s0] =	ssyncadd.s32 @!p0 s1  }
0xd8: {  	[bflag:$0x3] =	sbarrier.arrive $0xFFFF  }
0xd9: {  	_ =	shalt  }

</sc_bundles>
